<compile_context>
chip_gen: v7x
topology: tpu7x:2x2x1
jax: 0.10.2.dev20260603
libtpu: 0.0.44.dev20260713+nightly
codegen_flags: <defaults>
</compile_context>

<pallas_src>
import jax
import jax.numpy as jnp
from jax import lax
from jax.experimental import pallas as pl
from jax.experimental.pallas import tpu as pltpu
from jax.experimental.pallas import tpu_sc as plsc

N_NODES = 10000
N_EDGES = 320000
HID = 128
NC, NS, L = 2, 16, 16
NW = NC * NS
C = 128
NR = N_EDGES // C
AGGW = HID + L
RPT = N_NODES // NS


def _pre_body(h_ref, w1a_ref, w1b_ref, b1_ref, p_ref, q_ref):
    h = h_ref[...]
    p_ref[...] = jnp.dot(h, w1a_ref[...], preferred_element_type=jnp.float32) + b1_ref[...]
    q_ref[...] = jnp.dot(h, w1b_ref[...], preferred_element_type=jnp.float32)


def _post_body(h_ref, p0_ref, p1_ref, d0_ref, d1_ref, w2_ref, b2_ref,
               w3a_ref, w3b_ref, b3_ref, w4_ref, b4_ref, o_ref):
    aggh = p0_ref[...] + p1_ref[...]
    deg = d0_ref[:, :1] + d1_ref[:, :1]
    agg = jnp.dot(aggh, w2_ref[...], preferred_element_type=jnp.float32) + deg * b2_ref[...]
    h = h_ref[...]
    hupd = jnp.maximum(
        jnp.dot(h, w3a_ref[...], preferred_element_type=jnp.float32)
        + jnp.dot(agg, w3b_ref[...], preferred_element_type=jnp.float32)
        + b3_ref[...], 0.0)
    o_ref[...] = h + jnp.dot(hupd, w4_ref[...], preferred_element_type=jnp.float32) + b4_ref[...]


def _sc_body(p_hbm, q_hbm, src_hbm, dst_hbm, ea_hbm, w1c_hbm,
             agg_out, deg_out,
             idx_v, ea_v, pbuf, qbuf, ones_v, wc_v, agg_sh, deg_sh,
             sem_p, sem_q):
    c = lax.axis_index("c")
    s = lax.axis_index("s")
    w = s * NC + c

    zero16 = jnp.zeros((L,), jnp.float32)

    def zbody(e, carry):
        for k in range(HID // L):
            pbuf[e, pl.ds(k * L, L)] = zero16
        ones_v[e, :] = zero16
        return carry

    lax.fori_loop(0, C, zbody, 0)
    for j in range(RPT // 125):
        pltpu.sync_copy(pbuf.at[pl.ds(0, 125)],
                        agg_sh.at[pl.ds(s * RPT + j * 125, 125)])
        pltpu.sync_copy(ones_v.at[pl.ds(0, 125)],
                        deg_sh.at[pl.ds(s * RPT + j * 125, 125)])
    plsc.subcore_barrier()

    lanes = lax.broadcasted_iota(jnp.int32, (L,), 0)
    onespat = jnp.where(lanes == 0, 1.0, 0.0).astype(jnp.float32)

    def obody(e, carry):
        ones_v[e, :] = onespat
        return carry

    lax.fori_loop(0, C, obody, 0)

    pltpu.sync_copy(w1c_hbm, wc_v)
    wc = [wc_v[pl.ds(k * L, L)] for k in range(HID // L)]

    n_rows = 78 + jnp.where(w < NR - 78 * NW, 1, 0)

    def row_body(i, carry):
        r = w + i * NW
        pltpu.sync_copy(src_hbm.at[r], idx_v.at[0])
        pltpu.sync_copy(dst_hbm.at[r], idx_v.at[1])
        pltpu.sync_copy(ea_hbm.at[r], ea_v)
        cp_p = pltpu.async_copy(p_hbm.at[idx_v.at[0]], pbuf, sem_p)
        cp_q = pltpu.async_copy(q_hbm.at[idx_v.at[1]], qbuf, sem_q)
        cp_p.wait()
        cp_q.wait()

        def edge_body(e, ecarry):
            ea_b = plsc.load_gather(ea_v, [jnp.full((L,), e, jnp.int32)])
            for k in range(HID // L):
                pv = pbuf[e, pl.ds(k * L, L)]
                qv = qbuf[e, pl.ds(k * L, L)]
                pbuf[e, pl.ds(k * L, L)] = jnp.maximum(pv + qv + ea_b * wc[k], 0.0)
            return ecarry

        lax.fori_loop(0, C, edge_body, 0)
        pltpu.sync_copy(pbuf, agg_sh.at[idx_v.at[1]], add=True)
        pltpu.sync_copy(ones_v, deg_sh.at[idx_v.at[1]], add=True)
        return carry

    lax.fori_loop(0, n_rows, row_body, 0)

    plsc.subcore_barrier()
    pltpu.sync_copy(agg_sh.at[pl.ds(s * RPT, RPT)],
                    agg_out.at[c, pl.ds(s * RPT, RPT)])
    pltpu.sync_copy(deg_sh.at[pl.ds(s * RPT, RPT)],
                    deg_out.at[c, pl.ds(s * RPT, RPT)])


def kernel(h, edge_index, edge_attr, W1, b1, W2, b2, W3, b3, W4, b4):
    ei = edge_index.astype(jnp.int32)
    src2 = ei[0].reshape(NR, C)
    dst2 = ei[1].reshape(NR, C)
    ea2 = edge_attr.astype(jnp.float32).reshape(NR, C)
    W1aT = W1[:, :HID].T
    W1bT = W1[:, HID:2 * HID].T
    w1c = W1[:, 2 * HID]

    P, Q = pl.pallas_call(
        _pre_body,
        grid=(10,),
        in_specs=[
            pl.BlockSpec((1000, HID), lambda i: (i, 0)),
            pl.BlockSpec((HID, HID), lambda i: (0, 0)),
            pl.BlockSpec((HID, HID), lambda i: (0, 0)),
            pl.BlockSpec((1, HID), lambda i: (0, 0)),
        ],
        out_specs=[pl.BlockSpec((1000, HID), lambda i: (i, 0))] * 2,
        out_shape=[jax.ShapeDtypeStruct((N_NODES, HID), jnp.float32)] * 2,
    )(h, W1aT, W1bT, b1.reshape(1, HID))

    mesh = plsc.VectorSubcoreMesh(core_axis_name="c", subcore_axis_name="s",
                                  num_cores=NC, num_subcores=NS)
    agg_parts, deg_parts = pl.kernel(
        _sc_body,
        out_type=(jax.ShapeDtypeStruct((NC, N_NODES, HID), jnp.float32),
                  jax.ShapeDtypeStruct((NC, N_NODES, L), jnp.float32)),
        mesh=mesh,
        scratch_types=[
            pltpu.VMEM((2, C), jnp.int32),
            pltpu.VMEM((C,), jnp.float32),
            pltpu.VMEM((C, HID), jnp.float32),
            pltpu.VMEM((C, HID), jnp.float32),
            pltpu.VMEM((C, L), jnp.float32),
            pltpu.VMEM((HID,), jnp.float32),
            pltpu.VMEM_SHARED((N_NODES, HID), jnp.float32),
            pltpu.VMEM_SHARED((N_NODES, L), jnp.float32),
            pltpu.SemaphoreType.DMA,
            pltpu.SemaphoreType.DMA,
        ],
        compiler_params=pltpu.CompilerParams(use_tc_tiling_on_sc=False,
                                             needs_layout_passes=False),
    )(P, Q, src2, dst2, ea2, w1c)

    out = pl.pallas_call(
        _post_body,
        grid=(10,),
        in_specs=[
            pl.BlockSpec((1000, HID), lambda i: (i, 0)),
            pl.BlockSpec((1000, HID), lambda i: (i, 0)),
            pl.BlockSpec((1000, HID), lambda i: (i, 0)),
            pl.BlockSpec((1000, L), lambda i: (i, 0)),
            pl.BlockSpec((1000, L), lambda i: (i, 0)),
            pl.BlockSpec((HID, HID), lambda i: (0, 0)),
            pl.BlockSpec((1, HID), lambda i: (0, 0)),
            pl.BlockSpec((HID, HID), lambda i: (0, 0)),
            pl.BlockSpec((HID, HID), lambda i: (0, 0)),
            pl.BlockSpec((1, HID), lambda i: (0, 0)),
            pl.BlockSpec((HID, HID), lambda i: (0, 0)),
            pl.BlockSpec((1, HID), lambda i: (0, 0)),
        ],
        out_specs=pl.BlockSpec((1000, HID), lambda i: (i, 0)),
        out_shape=jax.ShapeDtypeStruct((N_NODES, HID), jnp.float32),
    )(h, agg_parts[0], agg_parts[1], deg_parts[0], deg_parts[1],
      W2.T, b2.reshape(1, HID),
      W3[:, :HID].T, W3[:, HID:].T, b3.reshape(1, HID),
      W4.T, b4.reshape(1, HID))
    return out

# --- scband reference (transcript-rebuilt; emitter-appended) ---
"""Pipeline reference for scband-message-layer-16939351015861 (READ-ONLY COPY).

The authoritative reference and input builder live on the scoring server;
editing this copy changes nothing except your own understanding.
"""

import jax, jax.numpy as jnp
import numpy as np

N_NODES = 10000
N_EDGES = 320000
HID = 128


def setup_inputs(seed: int = 0) -> dict:
    key = jax.random.key(seed)
    ks = jax.random.split(key, 12)
    h = jax.random.normal(ks[0], (N_NODES, HID), dtype=jnp.float32)
    edge_index = jax.random.randint(ks[1], (2, N_EDGES), 0, N_NODES, dtype=jnp.int64 if jax.config.read('jax_enable_x64') else jnp.int32)
    edge_attr = jax.random.normal(ks[2], (N_EDGES, 1), dtype=jnp.float32)
    # msg MLP: Linear(2*HID+1 -> HID), ReLU, Linear(HID -> HID)
    in1 = 2 * HID + 1
    W1 = jax.random.normal(ks[3], (HID, in1), dtype=jnp.float32) * (1.0 / np.sqrt(in1))
    b1 = jax.random.normal(ks[4], (HID,), dtype=jnp.float32) * 0.01
    W2 = jax.random.normal(ks[5], (HID, HID), dtype=jnp.float32) * (1.0 / np.sqrt(HID))
    b2 = jax.random.normal(ks[6], (HID,), dtype=jnp.float32) * 0.01
    # upd MLP: Linear(2*HID -> HID), ReLU, Linear(HID -> HID)
    in3 = 2 * HID
    W3 = jax.random.normal(ks[7], (HID, in3), dtype=jnp.float32) * (1.0 / np.sqrt(in3))
    b3 = jax.random.normal(ks[8], (HID,), dtype=jnp.float32) * 0.01
    W4 = jax.random.normal(ks[9], (HID, HID), dtype=jnp.float32) * (1.0 / np.sqrt(HID))
    b4 = jax.random.normal(ks[10], (HID,), dtype=jnp.float32) * 0.01
    return {"h": h, "edge_index": edge_index, "edge_attr": edge_attr,
            "W1": W1, "b1": b1, "W2": W2, "b2": b2,
            "W3": W3, "b3": b3, "W4": W4, "b4": b4}


def reference(h, edge_index, edge_attr, W1, b1, W2, b2, W3, b3, W4, b4):
    src = edge_index[0]
    dst = edge_index[1]
    # gather endpoint features (SparseCore gather)
    m_in = jnp.concatenate([jnp.take(h, src, axis=0), jnp.take(h, dst, axis=0), edge_attr], axis=1)
    hmsg = jnp.maximum(m_in @ W1.T + b1, 0.0)
    msg = hmsg @ W2.T + b2
    # scatter-add aggregation (index_add)
    agg = jnp.zeros_like(h).at[dst].add(msg)
    upd_in = jnp.concatenate([h, agg], axis=1)
    hupd = jnp.maximum(upd_in @ W3.T + b3, 0.0)
    upd = hupd @ W4.T + b4
    return h + upd

if __name__ == "__main__":
    import jax
    _d = setup_inputs()
    print(jax.jit(kernel)(*tuple(_d.values())))

</pallas_src>

<mosaic_0001>
#map = affine_map<(d0, d1) -> (0, 0)>
#map1 = affine_map<(d0, d1) -> (0)>
#map2 = affine_map<(d0, d1) -> (0, 0, 0)>
module attributes {stable_mosaic.version = 14 : i64} {
  func.func @_sc_body(%arg0: i32, %arg1: i32, %arg2: memref<10000x128xf32, #tpu.memory_space<hbm>>, %arg3: memref<10000x128xf32, #tpu.memory_space<hbm>>, %arg4: memref<2500x128xi32, #tpu.memory_space<hbm>>, %arg5: memref<2500x128xi32, #tpu.memory_space<hbm>>, %arg6: memref<2500x128xf32, #tpu.memory_space<hbm>>, %arg7: memref<128xf32, #tpu.memory_space<hbm>>, %arg8: memref<2x10000x128xf32, #tpu.memory_space<hbm>>, %arg9: memref<2x10000x16xf32, #tpu.memory_space<hbm>>, %arg10: memref<2x128xi32, #tpu.memory_space<vmem>>, %arg11: memref<128xf32, #tpu.memory_space<vmem>>, %arg12: memref<128x128xf32, #tpu.memory_space<vmem>>, %arg13: memref<128x128xf32, #tpu.memory_space<vmem>>, %arg14: memref<128x16xf32, #tpu.memory_space<vmem>>, %arg15: memref<128xf32, #tpu.memory_space<vmem>>, %arg16: memref<10000x128xf32, #tpu.memory_space<vmem_shared>>, %arg17: memref<10000x16xf32, #tpu.memory_space<vmem_shared>>, %arg18: memref<!tpu.dma_semaphore, #tpu.memory_space<semaphore_mem>>, %arg19: memref<!tpu.dma_semaphore, #tpu.memory_space<semaphore_mem>>) attributes {dimension_semantics = [#tpu.dimension_semantics<core_parallel>, #tpu.dimension_semantics<subcore_parallel>], iteration_bounds = array<i64: 2, 16>, scalar_prefetch = 0 : i64, scratch_operands = 10 : i64, tpu.core_type = #tpu.core_type<sc_vector_subcore>, window_params = [{transform_indices = #map}, {transform_indices = #map}, {transform_indices = #map}, {transform_indices = #map}, {transform_indices = #map}, {transform_indices = #map1}, {transform_indices = #map2}, {transform_indices = #map2}]} {
    %mul3A = arith.constant 2 : i32
    %mul3A_0 = arith.muli %arg1, %mul3A : i32
    %add3A = arith.addi %mul3A_0, %arg0 : i32
    %broadcast_in_dim3A = arith.constant 0.000000e+00 : f32
    %broadcast_in_dim3A_1 = vector.broadcast %broadcast_in_dim3A : f32 to vector<16xf32>
    %scan3A = arith.constant 0 : i32
    %scan3A_2 = arith.constant 0 : i32
    %scan3A_3 = arith.constant 128 : i32
    %scan3A_4 = arith.addi %scan3A_2, %scan3A_3 : i32
    %scan3A_5 = arith.constant 1 : i32
    scf.for %scan3A_97 = %scan3A_2 to %scan3A_4 step %scan3A_5  : i32 {
      %swap3A = arith.index_cast %scan3A_97 : i32 to index
      %swap3A_98 = arith.constant 0 : index
      %swap3A_99 = tpu.vector_load %arg12[%swap3A, %swap3A_98] {strides = array<i32>} : memref<128x128xf32, #tpu.memory_space<vmem>>, vector<16xf32>,
      tpu.vector_store %arg12[%swap3A, %swap3A_98], %broadcast_in_dim3A_1 {strides = array<i32>} : memref<128x128xf32, #tpu.memory_space<vmem>>, vector<16xf32>,
      %swap3A_100 = arith.index_cast %scan3A_97 : i32 to index
      %swap3A_101 = arith.constant 16 : index
      %swap3A_102 = tpu.vector_load %arg12[%swap3A_100, %swap3A_101] {strides = array<i32>} : memref<128x128xf32, #tpu.memory_space<vmem>>, vector<16xf32>,
      tpu.vector_store %arg12[%swap3A_100, %swap3A_101], %broadcast_in_dim3A_1 {strides = array<i32>} : memref<128x128xf32, #tpu.memory_space<vmem>>, vector<16xf32>,
      %swap3A_103 = arith.index_cast %scan3A_97 : i32 to index
      %swap3A_104 = arith.constant 32 : index
      %swap3A_105 = tpu.vector_load %arg12[%swap3A_103, %swap3A_104] {strides = array<i32>} : memref<128x128xf32, #tpu.memory_space<vmem>>, vector<16xf32>,
      tpu.vector_store %arg12[%swap3A_103, %swap3A_104], %broadcast_in_dim3A_1 {strides = array<i32>} : memref<128x128xf32, #tpu.memory_space<vmem>>, vector<16xf32>,
      %swap3A_106 = arith.index_cast %scan3A_97 : i32 to index
      %swap3A_107 = arith.constant 48 : index
      %swap3A_108 = tpu.vector_load %arg12[%swap3A_106, %swap3A_107] {strides = array<i32>} : memref<128x128xf32, #tpu.memory_space<vmem>>, vector<16xf32>,
      tpu.vector_store %arg12[%swap3A_106, %swap3A_107], %broadcast_in_dim3A_1 {strides = array<i32>} : memref<128x128xf32, #tpu.memory_space<vmem>>, vector<16xf32>,
      %swap3A_109 = arith.index_cast %scan3A_97 : i32 to index
      %swap3A_110 = arith.constant 64 : index
      %swap3A_111 = tpu.vector_load %arg12[%swap3A_109, %swap3A_110] {strides = array<i32>} : memref<128x128xf32, #tpu.memory_space<vmem>>, vector<16xf32>,
      tpu.vector_store %arg12[%swap3A_109, %swap3A_110], %broadcast_in_dim3A_1 {strides = array<i32>} : memref<128x128xf32, #tpu.memory_space<vmem>>, vector<16xf32>,
      %swap3A_112 = arith.index_cast %scan3A_97 : i32 to index
      %swap3A_113 = arith.constant 80 : index
      %swap3A_114 = tpu.vector_load %arg12[%swap3A_112, %swap3A_113] {strides = array<i32>} : memref<128x128xf32, #tpu.memory_space<vmem>>, vector<16xf32>,
      tpu.vector_store %arg12[%swap3A_112, %swap3A_113], %broadcast_in_dim3A_1 {strides = array<i32>} : memref<128x128xf32, #tpu.memory_space<vmem>>, vector<16xf32>,
      %swap3A_115 = arith.index_cast %scan3A_97 : i32 to index
      %swap3A_116 = arith.constant 96 : index
      %swap3A_117 = tpu.vector_load %arg12[%swap3A_115, %swap3A_116] {strides = array<i32>} : memref<128x128xf32, #tpu.memory_space<vmem>>, vector<16xf32>,
      tpu.vector_store %arg12[%swap3A_115, %swap3A_116], %broadcast_in_dim3A_1 {strides = array<i32>} : memref<128x128xf32, #tpu.memory_space<vmem>>, vector<16xf32>,
      %swap3A_118 = arith.index_cast %scan3A_97 : i32 to index
      %swap3A_119 = arith.constant 112 : index
      %swap3A_120 = tpu.vector_load %arg12[%swap3A_118, %swap3A_119] {strides = array<i32>} : memref<128x128xf32, #tpu.memory_space<vmem>>, vector<16xf32>,
      tpu.vector_store %arg12[%swap3A_118, %swap3A_119], %broadcast_in_dim3A_1 {strides = array<i32>} : memref<128x128xf32, #tpu.memory_space<vmem>>, vector<16xf32>,
      %swap3A_121 = arith.index_cast %scan3A_97 : i32 to index
      %swap3A_122 = arith.constant 0 : index
      %swap3A_123 = tpu.vector_load %arg14[%swap3A_121, %swap3A_122] {strides = array<i32>} : memref<128x16xf32, #tpu.memory_space<vmem>>, vector<16xf32>,
      tpu.vector_store %arg14[%swap3A_121, %swap3A_122], %broadcast_in_dim3A_1 {strides = array<i32>} : memref<128x16xf32, #tpu.memory_space<vmem>>, vector<16xf32>,
    }
    %scan3A_6 = arith.constant 128 : i32
    %mul3A_7 = arith.constant 625 : i32
    %mul3A_8 = arith.muli %arg1, %mul3A_7 : i32
    %add3A_9 = arith.constant 0 : i32
    %add3A_10 = arith.addi %mul3A_8, %add3A_9 : i32
    "tpu.region"() ({
      %run_scoped3A = tpu.sem_alloc : memref<!tpu.dma_semaphore, #tpu.memory_space<semaphore_mem>>
      %dma_start3A = arith.constant 0 : i32
      %dma_start3A_97 = arith.constant 0 : i32
      %dma_start3A_98 = tpu.memref_slice %arg12[%dma_start3A, %dma_start3A_97] : memref<128x128xf32, #tpu.memory_space<vmem>> -> memref<125x128xf32, #tpu.memory_space<vmem>>
      %dma_start3A_99 = arith.constant 0 : i32
      %dma_start3A_100 = tpu.memref_slice %arg16[%add3A_10, %dma_start3A_99] : memref<10000x128xf32, #tpu.memory_space<vmem_shared>> -> memref<125x128xf32, #tpu.memory_space<vmem_shared>>
      %dma_start3A_101 = arith.constant 0 : i32
      %dma_start3A_102 = tpu.memref_slice %arg16[%add3A_10, %dma_start3A_101] : memref<10000x128xf32, #tpu.memory_space<vmem_shared>> -> memref<125x128xf32, #tpu.memory_space<vmem_shared>>
      %dma_start3A_103 = arith.constant 0 : i32
      %dma_start3A_104 = arith.constant 0 : i32
      %dma_start3A_105 = tpu.memref_slice %arg12[%dma_start3A_103, %dma_start3A_104] : memref<128x128xf32, #tpu.memory_space<vmem>> -> memref<125x128xf32, #tpu.memory_space<vmem>>
      tpu.enqueue_dma source(%dma_start3A_105 : memref<125x128xf32, #tpu.memory_space<vmem>>) target(%dma_start3A_102 : memref<125x128xf32, #tpu.memory_space<vmem_shared>>) target_semaphore(%run_scoped3A : memref<!tpu.dma_semaphore, #tpu.memory_space<semaphore_mem>>)
      %dma_wait3A = arith.constant 0 : i32
      %dma_wait3A_106 = arith.constant 0 : i32
      %dma_wait3A_107 = tpu.memref_slice %arg12[%dma_wait3A, %dma_wait3A_106] : memref<128x128xf32, #tpu.memory_space<vmem>> -> memref<125x128xf32, #tpu.memory_space<vmem>>
      %dma_wait3A_108 = arith.constant 0 : i32
      %dma_wait3A_109 = tpu.memref_slice %arg16[%add3A_10, %dma_wait3A_108] : memref<10000x128xf32, #tpu.memory_space<vmem_shared>> -> memref<125x128xf32, #tpu.memory_space<vmem_shared>>
      %dma_wait3A_110 = arith.constant 0 : i32
      %dma_wait3A_111 = tpu.memref_slice %arg16[%add3A_10, %dma_wait3A_110] : memref<10000x128xf32, #tpu.memory_space<vmem_shared>> -> memref<125x128xf32, #tpu.memory_space<vmem_shared>>
      %dma_wait3A_112 = arith.constant 0 : i32
      %dma_wait3A_113 = arith.constant 0 : i32
      %dma_wait3A_114 = tpu.memref_slice %arg12[%dma_wait3A_112, %dma_wait3A_113] : memref<128x128xf32, #tpu.memory_space<vmem>> -> memref<125x128xf32, #tpu.memory_space<vmem>>
      tpu.wait_dma2 semaphore(%run_scoped3A : memref<!tpu.dma_semaphore, #tpu.memory_space<semaphore_mem>>) src(%dma_wait3A_114 : memref<125x128xf32, #tpu.memory_space<vmem>>) dst(%dma_wait3A_111 : memref<125x128xf32, #tpu.memory_space<vmem_shared>>)
      tpu.yield
    }) : () -> ()
    %mul3A_11 = arith.constant 625 : i32
    %mul3A_12 = arith.muli %arg1, %mul3A_11 : i32
    %add3A_13 = arith.constant 0 : i32
    %add3A_14 = arith.addi %mul3A_12, %add3A_13 : i32
    "tpu.region"() ({
      %run_scoped3A = tpu.sem_alloc : memref<!tpu.dma_semaphore, #tpu.memory_space<semaphore_mem>>
      %dma_start3A = arith.constant 0 : i32
      %dma_start3A_97 = arith.constant 0 : i32
      %dma_start3A_98 = tpu.memref_slice %arg14[%dma_start3A, %dma_start3A_97] : memref<128x16xf32, #tpu.memory_space<vmem>> -> memref<125x16xf32, #tpu.memory_space<vmem>>
      %dma_start3A_99 = arith.constant 0 : i32
      %dma_start3A_100 = tpu.memref_slice %arg17[%add3A_14, %dma_start3A_99] : memref<10000x16xf32, #tpu.memory_space<vmem_shared>> -> memref<125x16xf32, #tpu.memory_space<vmem_shared>>
      %dma_start3A_101 = arith.constant 0 : i32
      %dma_start3A_102 = tpu.memref_slice %arg17[%add3A_14, %dma_start3A_101] : memref<10000x16xf32, #tpu.memory_space<vmem_shared>> -> memref<125x16xf32, #tpu.memory_space<vmem_shared>>
      %dma_start3A_103 = arith.constant 0 : i32
      %dma_start3A_104 = arith.constant 0 : i32
      %dma_start3A_105 = tpu.memref_slice %arg14[%dma_start3A_103, %dma_start3A_104] : memref<128x16xf32, #tpu.memory_space<vmem>> -> memref<125x16xf32, #tpu.memory_space<vmem>>
      tpu.enqueue_dma source(%dma_start3A_105 : memref<125x16xf32, #tpu.memory_space<vmem>>) target(%dma_start3A_102 : memref<125x16xf32, #tpu.memory_space<vmem_shared>>) target_semaphore(%run_scoped3A : memref<!tpu.dma_semaphore, #tpu.memory_space<semaphore_mem>>)
      %dma_wait3A = arith.constant 0 : i32
      %dma_wait3A_106 = arith.constant 0 : i32
      %dma_wait3A_107 = tpu.memref_slice %arg14[%dma_wait3A, %dma_wait3A_106] : memref<128x16xf32, #tpu.memory_space<vmem>> -> memref<125x16xf32, #tpu.memory_space<vmem>>
      %dma_wait3A_108 = arith.constant 0 : i32
      %dma_wait3A_109 = tpu.memref_slice %arg17[%add3A_14, %dma_wait3A_108] : memref<10000x16xf32, #tpu.memory_space<vmem_shared>> -> memref<125x16xf32, #tpu.memory_space<vmem_shared>>
      %dma_wait3A_110 = arith.constant 0 : i32
      %dma_wait3A_111 = tpu.memref_slice %arg17[%add3A_14, %dma_wait3A_110] : memref<10000x16xf32, #tpu.memory_space<vmem_shared>> -> memref<125x16xf32, #tpu.memory_space<vmem_shared>>
      %dma_wait3A_112 = arith.constant 0 : i32
      %dma_wait3A_113 = arith.constant 0 : i32
      %dma_wait3A_114 = tpu.memref_slice %arg14[%dma_wait3A_112, %dma_wait3A_113] : memref<128x16xf32, #tpu.memory_space<vmem>> -> memref<125x16xf32, #tpu.memory_space<vmem>>
      tpu.wait_dma2 semaphore(%run_scoped3A : memref<!tpu.dma_semaphore, #tpu.memory_space<semaphore_mem>>) src(%dma_wait3A_114 : memref<125x16xf32, #tpu.memory_space<vmem>>) dst(%dma_wait3A_111 : memref<125x16xf32, #tpu.memory_space<vmem_shared>>)
      tpu.yield
    }) : () -> ()
    %mul3A_15 = arith.constant 625 : i32
    %mul3A_16 = arith.muli %arg1, %mul3A_15 : i32
    %add3A_17 = arith.constant 125 : i32
    %add3A_18 = arith.addi %mul3A_16, %add3A_17 : i32
    "tpu.region"() ({
      %run_scoped3A = tpu.sem_alloc : memref<!tpu.dma_semaphore, #tpu.memory_space<semaphore_mem>>
      %dma_start3A = arith.constant 0 : i32
      %dma_start3A_97 = arith.constant 0 : i32
      %dma_start3A_98 = tpu.memref_slice %arg12[%dma_start3A, %dma_start3A_97] : memref<128x128xf32, #tpu.memory_space<vmem>> -> memref<125x128xf32, #tpu.memory_space<vmem>>
      %dma_start3A_99 = arith.constant 0 : i32
      %dma_start3A_100 = tpu.memref_slice %arg16[%add3A_18, %dma_start3A_99] : memref<10000x128xf32, #tpu.memory_space<vmem_shared>> -> memref<125x128xf32, #tpu.memory_space<vmem_shared>>
      %dma_start3A_101 = arith.constant 0 : i32
      %dma_start3A_102 = tpu.memref_slice %arg16[%add3A_18, %dma_start3A_101] : memref<10000x128xf32, #tpu.memory_space<vmem_shared>> -> memref<125x128xf32, #tpu.memory_space<vmem_shared>>
      %dma_start3A_103 = arith.constant 0 : i32
      %dma_start3A_104 = arith.constant 0 : i32
      %dma_start3A_105 = tpu.memref_slice %arg12[%dma_start3A_103, %dma_start3A_104] : memref<128x128xf32, #tpu.memory_space<vmem>> -> memref<125x128xf32, #tpu.memory_space<vmem>>
      tpu.enqueue_dma source(%dma_start3A_105 : memref<125x128xf32, #tpu.memory_space<vmem>>) target(%dma_start3A_102 : memref<125x128xf32, #tpu.memory_space<vmem_shared>>) target_semaphore(%run_scoped3A : memref<!tpu.dma_semaphore, #tpu.memory_space<semaphore_mem>>)
      %dma_wait3A = arith.constant 0 : i32
      %dma_wait3A_106 = arith.constant 0 : i32
      %dma_wait3A_107 = tpu.memref_slice %arg12[%dma_wait3A, %dma_wait3A_106] : memref<128x128xf32, #tpu.memory_space<vmem>> -> memref<125x128xf32, #tpu.memory_space<vmem>>
      %dma_wait3A_108 = arith.constant 0 : i32
      %dma_wait3A_109 = tpu.memref_slice %arg16[%add3A_18, %dma_wait3A_108] : memref<10000x128xf32, #tpu.memory_space<vmem_shared>> -> memref<125x128xf32, #tpu.memory_space<vmem_shared>>
      %dma_wait3A_110 = arith.constant 0 : i32
      %dma_wait3A_111 = tpu.memref_slice %arg16[%add3A_18, %dma_wait3A_110] : memref<10000x128xf32, #tpu.memory_space<vmem_shared>> -> memref<125x128xf32, #tpu.memory_space<vmem_shared>>
      %dma_wait3A_112 = arith.constant 0 : i32
      %dma_wait3A_113 = arith.constant 0 : i32
      %dma_wait3A_114 = tpu.memref_slice %arg12[%dma_wait3A_112, %dma_wait3A_113] : memref<128x128xf32, #tpu.memory_space<vmem>> -> memref<125x128xf32, #tpu.memory_space<vmem>>
      tpu.wait_dma2 semaphore(%run_scoped3A : memref<!tpu.dma_semaphore, #tpu.memory_space<semaphore_mem>>) src(%dma_wait3A_114 : memref<125x128xf32, #tpu.memory_space<vmem>>) dst(%dma_wait3A_111 : memref<125x128xf32, #tpu.memory_space<vmem_shared>>)
      tpu.yield
    }) : () -> ()
    %mul3A_19 = arith.constant 625 : i32
    %mul3A_20 = arith.muli %arg1, %mul3A_19 : i32
    %add3A_21 = arith.constant 125 : i32
    %add3A_22 = arith.addi %mul3A_20, %add3A_21 : i32
    "tpu.region"() ({
      %run_scoped3A = tpu.sem_alloc : memref<!tpu.dma_semaphore, #tpu.memory_space<semaphore_mem>>
      %dma_start3A = arith.constant 0 : i32
      %dma_start3A_97 = arith.constant 0 : i32
      %dma_start3A_98 = tpu.memref_slice %arg14[%dma_start3A, %dma_start3A_97] : memref<128x16xf32, #tpu.memory_space<vmem>> -> memref<125x16xf32, #tpu.memory_space<vmem>>
      %dma_start3A_99 = arith.constant 0 : i32
      %dma_start3A_100 = tpu.memref_slice %arg17[%add3A_22, %dma_start3A_99] : memref<10000x16xf32, #tpu.memory_space<vmem_shared>> -> memref<125x16xf32, #tpu.memory_space<vmem_shared>>
      %dma_start3A_101 = arith.constant 0 : i32
      %dma_start3A_102 = tpu.memref_slice %arg17[%add3A_22, %dma_start3A_101] : memref<10000x16xf32, #tpu.memory_space<vmem_shared>> -> memref<125x16xf32, #tpu.memory_space<vmem_shared>>
      %dma_start3A_103 = arith.constant 0 : i32
      %dma_start3A_104 = arith.constant 0 : i32
      %dma_start3A_105 = tpu.memref_slice %arg14[%dma_start3A_103, %dma_start3A_104] : memref<128x16xf32, #tpu.memory_space<vmem>> -> memref<125x16xf32, #tpu.memory_space<vmem>>
      tpu.enqueue_dma source(%dma_start3A_105 : memref<125x16xf32, #tpu.memory_space<vmem>>) target(%dma_start3A_102 : memref<125x16xf32, #tpu.memory_space<vmem_shared>>) target_semaphore(%run_scoped3A : memref<!tpu.dma_semaphore, #tpu.memory_space<semaphore_mem>>)
      %dma_wait3A = arith.constant 0 : i32
      %dma_wait3A_106 = arith.constant 0 : i32
      %dma_wait3A_107 = tpu.memref_slice %arg14[%dma_wait3A, %dma_wait3A_106] : memref<128x16xf32, #tpu.memory_space<vmem>> -> memref<125x16xf32, #tpu.memory_space<vmem>>
      %dma_wait3A_108 = arith.constant 0 : i32
      %dma_wait3A_109 = tpu.memref_slice %arg17[%add3A_22, %dma_wait3A_108] : memref<10000x16xf32, #tpu.memory_space<vmem_shared>> -> memref<125x16xf32, #tpu.memory_space<vmem_shared>>
      %dma_wait3A_110 = arith.constant 0 : i32
      %dma_wait3A_111 = tpu.memref_slice %arg17[%add3A_22, %dma_wait3A_110] : memref<10000x16xf32, #tpu.memory_space<vmem_shared>> -> memref<125x16xf32, #tpu.memory_space<vmem_shared>>
      %dma_wait3A_112 = arith.constant 0 : i32
      %dma_wait3A_113 = arith.constant 0 : i32
      %dma_wait3A_114 = tpu.memref_slice %arg14[%dma_wait3A_112, %dma_wait3A_113] : memref<128x16xf32, #tpu.memory_space<vmem>> -> memref<125x16xf32, #tpu.memory_space<vmem>>
      tpu.wait_dma2 semaphore(%run_scoped3A : memref<!tpu.dma_semaphore, #tpu.memory_space<semaphore_mem>>) src(%dma_wait3A_114 : memref<125x16xf32, #tpu.memory_space<vmem>>) dst(%dma_wait3A_111 : memref<125x16xf32, #tpu.memory_space<vmem_shared>>)
      tpu.yield
    }) : () -> ()
    %mul3A_23 = arith.constant 625 : i32
    %mul3A_24 = arith.muli %arg1, %mul3A_23 : i32
    %add3A_25 = arith.constant 250 : i32
    %add3A_26 = arith.addi %mul3A_24, %add3A_25 : i32
    "tpu.region"() ({
      %run_scoped3A = tpu.sem_alloc : memref<!tpu.dma_semaphore, #tpu.memory_space<semaphore_mem>>
      %dma_start3A = arith.constant 0 : i32
      %dma_start3A_97 = arith.constant 0 : i32
      %dma_start3A_98 = tpu.memref_slice %arg12[%dma_start3A, %dma_start3A_97] : memref<128x128xf32, #tpu.memory_space<vmem>> -> memref<125x128xf32, #tpu.memory_space<vmem>>
      %dma_start3A_99 = arith.constant 0 : i32
      %dma_start3A_100 = tpu.memref_slice %arg16[%add3A_26, %dma_start3A_99] : memref<10000x128xf32, #tpu.memory_space<vmem_shared>> -> memref<125x128xf32, #tpu.memory_space<vmem_shared>>
      %dma_start3A_101 = arith.constant 0 : i32
      %dma_start3A_102 = tpu.memref_slice %arg16[%add3A_26, %dma_start3A_101] : memref<10000x128xf32, #tpu.memory_space<vmem_shared>> -> memref<125x128xf32, #tpu.memory_space<vmem_shared>>
      %dma_start3A_103 = arith.constant 0 : i32
      %dma_start3A_104 = arith.constant 0 : i32
      %dma_start3A_105 = tpu.memref_slice %arg12[%dma_start3A_103, %dma_start3A_104] : memref<128x128xf32, #tpu.memory_space<vmem>> -> memref<125x128xf32, #tpu.memory_space<vmem>>
      tpu.enqueue_dma source(%dma_start3A_105 : memref<125x128xf32, #tpu.memory_space<vmem>>) target(%dma_start3A_102 : memref<125x128xf32, #tpu.memory_space<vmem_shared>>) target_semaphore(%run_scoped3A : memref<!tpu.dma_semaphore, #tpu.memory_space<semaphore_mem>>)
      %dma_wait3A = arith.constant 0 : i32
      %dma_wait3A_106 = arith.constant 0 : i32
      %dma_wait3A_107 = tpu.memref_slice %arg12[%dma_wait3A, %dma_wait3A_106] : memref<128x128xf32, #tpu.memory_space<vmem>> -> memref<125x128xf32, #tpu.memory_space<vmem>>
      %dma_wait3A_108 = arith.constant 0 : i32
      %dma_wait3A_109 = tpu.memref_slice %arg16[%add3A_26, %dma_wait3A_108] : memref<10000x128xf32, #tpu.memory_space<vmem_shared>> -> memref<125x128xf32, #tpu.memory_space<vmem_shared>>
      %dma_wait3A_110 = arith.constant 0 : i32
      %dma_wait3A_111 = tpu.memref_slice %arg16[%add3A_26, %dma_wait3A_110] : memref<10000x128xf32, #tpu.memory_space<vmem_shared>> -> memref<125x128xf32, #tpu.memory_space<vmem_shared>>
      %dma_wait3A_112 = arith.constant 0 : i32
      %dma_wait3A_113 = arith.constant 0 : i32
      %dma_wait3A_114 = tpu.memref_slice %arg12[%dma_wait3A_112, %dma_wait3A_113] : memref<128x128xf32, #tpu.memory_space<vmem>> -> memref<125x128xf32, #tpu.memory_space<vmem>>
      tpu.wait_dma2 semaphore(%run_scoped3A : memref<!tpu.dma_semaphore, #tpu.memory_space<semaphore_mem>>) src(%dma_wait3A_114 : memref<125x128xf32, #tpu.memory_space<vmem>>) dst(%dma_wait3A_111 : memref<125x128xf32, #tpu.memory_space<vmem_shared>>)
      tpu.yield
    }) : () -> ()
    %mul3A_27 = arith.constant 625 : i32
    %mul3A_28 = arith.muli %arg1, %mul3A_27 : i32
    %add3A_29 = arith.constant 250 : i32
    %add3A_30 = arith.addi %mul3A_28, %add3A_29 : i32
    "tpu.region"() ({
      %run_scoped3A = tpu.sem_alloc : memref<!tpu.dma_semaphore, #tpu.memory_space<semaphore_mem>>
      %dma_start3A = arith.constant 0 : i32
      %dma_start3A_97 = arith.constant 0 : i32
      %dma_start3A_98 = tpu.memref_slice %arg14[%dma_start3A, %dma_start3A_97] : memref<128x16xf32, #tpu.memory_space<vmem>> -> memref<125x16xf32, #tpu.memory_space<vmem>>
      %dma_start3A_99 = arith.constant 0 : i32
      %dma_start3A_100 = tpu.memref_slice %arg17[%add3A_30, %dma_start3A_99] : memref<10000x16xf32, #tpu.memory_space<vmem_shared>> -> memref<125x16xf32, #tpu.memory_space<vmem_shared>>
      %dma_start3A_101 = arith.constant 0 : i32
      %dma_start3A_102 = tpu.memref_slice %arg17[%add3A_30, %dma_start3A_101] : memref<10000x16xf32, #tpu.memory_space<vmem_shared>> -> memref<125x16xf32, #tpu.memory_space<vmem_shared>>
      %dma_start3A_103 = arith.constant 0 : i32
      %dma_start3A_104 = arith.constant 0 : i32
      %dma_start3A_105 = tpu.memref_slice %arg14[%dma_start3A_103, %dma_start3A_104] : memref<128x16xf32, #tpu.memory_space<vmem>> -> memref<125x16xf32, #tpu.memory_space<vmem>>
      tpu.enqueue_dma source(%dma_start3A_105 : memref<125x16xf32, #tpu.memory_space<vmem>>) target(%dma_start3A_102 : memref<125x16xf32, #tpu.memory_space<vmem_shared>>) target_semaphore(%run_scoped3A : memref<!tpu.dma_semaphore, #tpu.memory_space<semaphore_mem>>)
      %dma_wait3A = arith.constant 0 : i32
      %dma_wait3A_106 = arith.constant 0 : i32
      %dma_wait3A_107 = tpu.memref_slice %arg14[%dma_wait3A, %dma_wait3A_106] : memref<128x16xf32, #tpu.memory_space<vmem>> -> memref<125x16xf32, #tpu.memory_space<vmem>>
      %dma_wait3A_108 = arith.constant 0 : i32
      %dma_wait3A_109 = tpu.memref_slice %arg17[%add3A_30, %dma_wait3A_108] : memref<10000x16xf32, #tpu.memory_space<vmem_shared>> -> memref<125x16xf32, #tpu.memory_space<vmem_shared>>
      %dma_wait3A_110 = arith.constant 0 : i32
      %dma_wait3A_111 = tpu.memref_slice %arg17[%add3A_30, %dma_wait3A_110] : memref<10000x16xf32, #tpu.memory_space<vmem_shared>> -> memref<125x16xf32, #tpu.memory_space<vmem_shared>>
      %dma_wait3A_112 = arith.constant 0 : i32
      %dma_wait3A_113 = arith.constant 0 : i32
      %dma_wait3A_114 = tpu.memref_slice %arg14[%dma_wait3A_112, %dma_wait3A_113] : memref<128x16xf32, #tpu.memory_space<vmem>> -> memref<125x16xf32, #tpu.memory_space<vmem>>
      tpu.wait_dma2 semaphore(%run_scoped3A : memref<!tpu.dma_semaphore, #tpu.memory_space<semaphore_mem>>) src(%dma_wait3A_114 : memref<125x16xf32, #tpu.memory_space<vmem>>) dst(%dma_wait3A_111 : memref<125x16xf32, #tpu.memory_space<vmem_shared>>)
      tpu.yield
    }) : () -> ()
    %mul3A_31 = arith.constant 625 : i32
    %mul3A_32 = arith.muli %arg1, %mul3A_31 : i32
    %add3A_33 = arith.constant 375 : i32
    %add3A_34 = arith.addi %mul3A_32, %add3A_33 : i32
    "tpu.region"() ({
      %run_scoped3A = tpu.sem_alloc : memref<!tpu.dma_semaphore, #tpu.memory_space<semaphore_mem>>
      %dma_start3A = arith.constant 0 : i32
      %dma_start3A_97 = arith.constant 0 : i32
      %dma_start3A_98 = tpu.memref_slice %arg12[%dma_start3A, %dma_start3A_97] : memref<128x128xf32, #tpu.memory_space<vmem>> -> memref<125x128xf32, #tpu.memory_space<vmem>>
      %dma_start3A_99 = arith.constant 0 : i32
      %dma_start3A_100 = tpu.memref_slice %arg16[%add3A_34, %dma_start3A_99] : memref<10000x128xf32, #tpu.memory_space<vmem_shared>> -> memref<125x128xf32, #tpu.memory_space<vmem_shared>>
      %dma_start3A_101 = arith.constant 0 : i32
      %dma_start3A_102 = tpu.memref_slice %arg16[%add3A_34, %dma_start3A_101] : memref<10000x128xf32, #tpu.memory_space<vmem_shared>> -> memref<125x128xf32, #tpu.memory_space<vmem_shared>>
      %dma_start3A_103 = arith.constant 0 : i32
      %dma_start3A_104 = arith.constant 0 : i32
      %dma_start3A_105 = tpu.memref_slice %arg12[%dma_start3A_103, %dma_start3A_104] : memref<128x128xf32, #tpu.memory_space<vmem>> -> memref<125x128xf32, #tpu.memory_space<vmem>>
      tpu.enqueue_dma source(%dma_start3A_105 : memref<125x128xf32, #tpu.memory_space<vmem>>) target(%dma_start3A_102 : memref<125x128xf32, #tpu.memory_space<vmem_shared>>) target_semaphore(%run_scoped3A : memref<!tpu.dma_semaphore, #tpu.memory_space<semaphore_mem>>)
      %dma_wait3A = arith.constant 0 : i32
      %dma_wait3A_106 = arith.constant 0 : i32
      %dma_wait3A_107 = tpu.memref_slice %arg12[%dma_wait3A, %dma_wait3A_106] : memref<128x128xf32, #tpu.memory_space<vmem>> -> memref<125x128xf32, #tpu.memory_space<vmem>>
      %dma_wait3A_108 = arith.constant 0 : i32
      %dma_wait3A_109 = tpu.memref_slice %arg16[%add3A_34, %dma_wait3A_108] : memref<10000x128xf32, #tpu.memory_space<vmem_shared>> -> memref<125x128xf32, #tpu.memory_space<vmem_shared>>
      %dma_wait3A_110 = arith.constant 0 : i32
      %dma_wait3A_111 = tpu.memref_slice %arg16[%add3A_34, %dma_wait3A_110] : memref<10000x128xf32, #tpu.memory_space<vmem_shared>> -> memref<125x128xf32, #tpu.memory_space<vmem_shared>>
      %dma_wait3A_112 = arith.constant 0 : i32
      %dma_wait3A_113 = arith.constant 0 : i32
      %dma_wait3A_114 = tpu.memref_slice %arg12[%dma_wait3A_112, %dma_wait3A_113] : memref<128x128xf32, #tpu.memory_space<vmem>> -> memref<125x128xf32, #tpu.memory_space<vmem>>
      tpu.wait_dma2 semaphore(%run_scoped3A : memref<!tpu.dma_semaphore, #tpu.memory_space<semaphore_mem>>) src(%dma_wait3A_114 : memref<125x128xf32, #tpu.memory_space<vmem>>) dst(%dma_wait3A_111 : memref<125x128xf32, #tpu.memory_space<vmem_shared>>)
      tpu.yield
    }) : () -> ()
    %mul3A_35 = arith.constant 625 : i32
    %mul3A_36 = arith.muli %arg1, %mul3A_35 : i32
    %add3A_37 = arith.constant 375 : i32
    %add3A_38 = arith.addi %mul3A_36, %add3A_37 : i32
    "tpu.region"() ({
      %run_scoped3A = tpu.sem_alloc : memref<!tpu.dma_semaphore, #tpu.memory_space<semaphore_mem>>
      %dma_start3A = arith.constant 0 : i32
      %dma_start3A_97 = arith.constant 0 : i32
      %dma_start3A_98 = tpu.memref_slice %arg14[%dma_start3A, %dma_start3A_97] : memref<128x16xf32, #tpu.memory_space<vmem>> -> memref<125x16xf32, #tpu.memory_space<vmem>>
      %dma_start3A_99 = arith.constant 0 : i32
      %dma_start3A_100 = tpu.memref_slice %arg17[%add3A_38, %dma_start3A_99] : memref<10000x16xf32, #tpu.memory_space<vmem_shared>> -> memref<125x16xf32, #tpu.memory_space<vmem_shared>>
      %dma_start3A_101 = arith.constant 0 : i32
      %dma_start3A_102 = tpu.memref_slice %arg17[%add3A_38, %dma_start3A_101] : memref<10000x16xf32, #tpu.memory_space<vmem_shared>> -> memref<125x16xf32, #tpu.memory_space<vmem_shared>>
      %dma_start3A_103 = arith.constant 0 : i32
      %dma_start3A_104 = arith.constant 0 : i32
      %dma_start3A_105 = tpu.memref_slice %arg14[%dma_start3A_103, %dma_start3A_104] : memref<128x16xf32, #tpu.memory_space<vmem>> -> memref<125x16xf32, #tpu.memory_space<vmem>>
      tpu.enqueue_dma source(%dma_start3A_105 : memref<125x16xf32, #tpu.memory_space<vmem>>) target(%dma_start3A_102 : memref<125x16xf32, #tpu.memory_space<vmem_shared>>) target_semaphore(%run_scoped3A : memref<!tpu.dma_semaphore, #tpu.memory_space<semaphore_mem>>)
      %dma_wait3A = arith.constant 0 : i32
      %dma_wait3A_106 = arith.constant 0 : i32
      %dma_wait3A_107 = tpu.memref_slice %arg14[%dma_wait3A, %dma_wait3A_106] : memref<128x16xf32, #tpu.memory_space<vmem>> -> memref<125x16xf32, #tpu.memory_space<vmem>>
      %dma_wait3A_108 = arith.constant 0 : i32
      %dma_wait3A_109 = tpu.memref_slice %arg17[%add3A_38, %dma_wait3A_108] : memref<10000x16xf32, #tpu.memory_space<vmem_shared>> -> memref<125x16xf32, #tpu.memory_space<vmem_shared>>
      %dma_wait3A_110 = arith.constant 0 : i32
      %dma_wait3A_111 = tpu.memref_slice %arg17[%add3A_38, %dma_wait3A_110] : memref<10000x16xf32, #tpu.memory_space<vmem_shared>> -> memref<125x16xf32, #tpu.memory_space<vmem_shared>>
      %dma_wait3A_112 = arith.constant 0 : i32
      %dma_wait3A_113 = arith.constant 0 : i32
      %dma_wait3A_114 = tpu.memref_slice %arg14[%dma_wait3A_112, %dma_wait3A_113] : memref<128x16xf32, #tpu.memory_space<vmem>> -> memref<125x16xf32, #tpu.memory_space<vmem>>
      tpu.wait_dma2 semaphore(%run_scoped3A : memref<!tpu.dma_semaphore, #tpu.memory_space<semaphore_mem>>) src(%dma_wait3A_114 : memref<125x16xf32, #tpu.memory_space<vmem>>) dst(%dma_wait3A_111 : memref<125x16xf32, #tpu.memory_space<vmem_shared>>)
      tpu.yield
    }) : () -> ()
    %mul3A_39 = arith.constant 625 : i32
    %mul3A_40 = arith.muli %arg1, %mul3A_39 : i32
    %add3A_41 = arith.constant 500 : i32
    %add3A_42 = arith.addi %mul3A_40, %add3A_41 : i32
    "tpu.region"() ({
      %run_scoped3A = tpu.sem_alloc : memref<!tpu.dma_semaphore, #tpu.memory_space<semaphore_mem>>
      %dma_start3A = arith.constant 0 : i32
      %dma_start3A_97 = arith.constant 0 : i32
      %dma_start3A_98 = tpu.memref_slice %arg12[%dma_start3A, %dma_start3A_97] : memref<128x128xf32, #tpu.memory_space<vmem>> -> memref<125x128xf32, #tpu.memory_space<vmem>>
      %dma_start3A_99 = arith.constant 0 : i32
      %dma_start3A_100 = tpu.memref_slice %arg16[%add3A_42, %dma_start3A_99] : memref<10000x128xf32, #tpu.memory_space<vmem_shared>> -> memref<125x128xf32, #tpu.memory_space<vmem_shared>>
      %dma_start3A_101 = arith.constant 0 : i32
      %dma_start3A_102 = tpu.memref_slice %arg16[%add3A_42, %dma_start3A_101] : memref<10000x128xf32, #tpu.memory_space<vmem_shared>> -> memref<125x128xf32, #tpu.memory_space<vmem_shared>>
      %dma_start3A_103 = arith.constant 0 : i32
      %dma_start3A_104 = arith.constant 0 : i32
      %dma_start3A_105 = tpu.memref_slice %arg12[%dma_start3A_103, %dma_start3A_104] : memref<128x128xf32, #tpu.memory_space<vmem>> -> memref<125x128xf32, #tpu.memory_space<vmem>>
      tpu.enqueue_dma source(%dma_start3A_105 : memref<125x128xf32, #tpu.memory_space<vmem>>) target(%dma_start3A_102 : memref<125x128xf32, #tpu.memory_space<vmem_shared>>) target_semaphore(%run_scoped3A : memref<!tpu.dma_semaphore, #tpu.memory_space<semaphore_mem>>)
      %dma_wait3A = arith.constant 0 : i32
      %dma_wait3A_106 = arith.constant 0 : i32
      %dma_wait3A_107 = tpu.memref_slice %arg12[%dma_wait3A, %dma_wait3A_106] : memref<128x128xf32, #tpu.memory_space<vmem>> -> memref<125x128xf32, #tpu.memory_space<vmem>>
      %dma_wait3A_108 = arith.constant 0 : i32
      %dma_wait3A_109 = tpu.memref_slice %arg16[%add3A_42, %dma_wait3A_108] : memref<10000x128xf32, #tpu.memory_space<vmem_shared>> -> memref<125x128xf32, #tpu.memory_space<vmem_shared>>
      %dma_wait3A_110 = arith.constant 0 : i32
      %dma_wait3A_111 = tpu.memref_slice %arg16[%add3A_42, %dma_wait3A_110] : memref<10000x128xf32, #tpu.memory_space<vmem_shared>> -> memref<125x128xf32, #tpu.memory_space<vmem_shared>>
      %dma_wait3A_112 = arith.constant 0 : i32
      %dma_wait3A_113 = arith.constant 0 : i32
      %dma_wait3A_114 = tpu.memref_slice %arg12[%dma_wait3A_112, %dma_wait3A_113] : memref<128x128xf32, #tpu.memory_space<vmem>> -> memref<125x128xf32, #tpu.memory_space<vmem>>
      tpu.wait_dma2 semaphore(%run_scoped3A : memref<!tpu.dma_semaphore, #tpu.memory_space<semaphore_mem>>) src(%dma_wait3A_114 : memref<125x128xf32, #tpu.memory_space<vmem>>) dst(%dma_wait3A_111 : memref<125x128xf32, #tpu.memory_space<vmem_shared>>)
      tpu.yield
    }) : () -> ()
    %mul3A_43 = arith.constant 625 : i32
    %mul3A_44 = arith.muli %arg1, %mul3A_43 : i32
    %add3A_45 = arith.constant 500 : i32
    %add3A_46 = arith.addi %mul3A_44, %add3A_45 : i32
    "tpu.region"() ({
      %run_scoped3A = tpu.sem_alloc : memref<!tpu.dma_semaphore, #tpu.memory_space<semaphore_mem>>
      %dma_start3A = arith.constant 0 : i32
      %dma_start3A_97 = arith.constant 0 : i32
      %dma_start3A_98 = tpu.memref_slice %arg14[%dma_start3A, %dma_start3A_97] : memref<128x16xf32, #tpu.memory_space<vmem>> -> memref<125x16xf32, #tpu.memory_space<vmem>>
      %dma_start3A_99 = arith.constant 0 : i32
      %dma_start3A_100 = tpu.memref_slice %arg17[%add3A_46, %dma_start3A_99] : memref<10000x16xf32, #tpu.memory_space<vmem_shared>> -> memref<125x16xf32, #tpu.memory_space<vmem_shared>>
      %dma_start3A_101 = arith.constant 0 : i32
      %dma_start3A_102 = tpu.memref_slice %arg17[%add3A_46, %dma_start3A_101] : memref<10000x16xf32, #tpu.memory_space<vmem_shared>> -> memref<125x16xf32, #tpu.memory_space<vmem_shared>>
      %dma_start3A_103 = arith.constant 0 : i32
      %dma_start3A_104 = arith.constant 0 : i32
      %dma_start3A_105 = tpu.memref_slice %arg14[%dma_start3A_103, %dma_start3A_104] : memref<128x16xf32, #tpu.memory_space<vmem>> -> memref<125x16xf32, #tpu.memory_space<vmem>>
      tpu.enqueue_dma source(%dma_start3A_105 : memref<125x16xf32, #tpu.memory_space<vmem>>) target(%dma_start3A_102 : memref<125x16xf32, #tpu.memory_space<vmem_shared>>) target_semaphore(%run_scoped3A : memref<!tpu.dma_semaphore, #tpu.memory_space<semaphore_mem>>)
      %dma_wait3A = arith.constant 0 : i32
      %dma_wait3A_106 = arith.constant 0 : i32
      %dma_wait3A_107 = tpu.memref_slice %arg14[%dma_wait3A, %dma_wait3A_106] : memref<128x16xf32, #tpu.memory_space<vmem>> -> memref<125x16xf32, #tpu.memory_space<vmem>>
      %dma_wait3A_108 = arith.constant 0 : i32
      %dma_wait3A_109 = tpu.memref_slice %arg17[%add3A_46, %dma_wait3A_108] : memref<10000x16xf32, #tpu.memory_space<vmem_shared>> -> memref<125x16xf32, #tpu.memory_space<vmem_shared>>
      %dma_wait3A_110 = arith.constant 0 : i32
      %dma_wait3A_111 = tpu.memref_slice %arg17[%add3A_46, %dma_wait3A_110] : memref<10000x16xf32, #tpu.memory_space<vmem_shared>> -> memref<125x16xf32, #tpu.memory_space<vmem_shared>>
      %dma_wait3A_112 = arith.constant 0 : i32
      %dma_wait3A_113 = arith.constant 0 : i32
      %dma_wait3A_114 = tpu.memref_slice %arg14[%dma_wait3A_112, %dma_wait3A_113] : memref<128x16xf32, #tpu.memory_space<vmem>> -> memref<125x16xf32, #tpu.memory_space<vmem>>
      tpu.wait_dma2 semaphore(%run_scoped3A : memref<!tpu.dma_semaphore, #tpu.memory_space<semaphore_mem>>) src(%dma_wait3A_114 : memref<125x16xf32, #tpu.memory_space<vmem>>) dst(%dma_wait3A_111 : memref<125x16xf32, #tpu.memory_space<vmem_shared>>)
      tpu.yield
    }) : () -> ()
    %barrier3A = arith.constant 0 : index
    tpu.barrier barrier_id(%barrier3A)
    %iota3A = tpu.iota {dimensions = array<i32: 0>} : vector<16xi32>
    %eq3A = arith.constant 0 : i32
    %eq3A_47 = vector.broadcast %eq3A : i32 to vector<16xi32>
    %eq3A_48 = arith.cmpi eq, %iota3A, %eq3A_47 : vector<16xi32>
    %jit3A = arith.constant 1.000000e+00 : f32
    %jit3A_49 = arith.constant 0.000000e+00 : f32
    %broadcast_in_dim3A_50 = vector.broadcast %jit3A : f32 to vector<16xf32>
    %broadcast_in_dim3A_51 = vector.broadcast %jit3A_49 : f32 to vector<16xf32>
    %select_n3A = arith.select %eq3A_48, %broadcast_in_dim3A_50, %broadcast_in_dim3A_51 : vector<16xi1>, vector<16xf32>
    %scan3A_52 = arith.constant 0 : i32
    %scan3A_53 = arith.constant 0 : i32
    %scan3A_54 = arith.constant 128 : i32
    %scan3A_55 = arith.addi %scan3A_53, %scan3A_54 : i32
    %scan3A_56 = arith.constant 1 : i32
    scf.for %scan3A_97 = %scan3A_53 to %scan3A_55 step %scan3A_56  : i32 {
      %swap3A = arith.index_cast %scan3A_97 : i32 to index
      %swap3A_98 = arith.constant 0 : index
      %swap3A_99 = tpu.vector_load %arg14[%swap3A, %swap3A_98] {strides = array<i32>} : memref<128x16xf32, #tpu.memory_space<vmem>>, vector<16xf32>,
      tpu.vector_store %arg14[%swap3A, %swap3A_98], %select_n3A {strides = array<i32>} : memref<128x16xf32, #tpu.memory_space<vmem>>, vector<16xf32>,
    }
    %scan3A_57 = arith.constant 128 : i32
    "tpu.region"() ({
      %run_scoped3A = tpu.sem_alloc : memref<!tpu.dma_semaphore, #tpu.memory_space<semaphore_mem>>
      tpu.enqueue_dma source(%arg7 : memref<128xf32, #tpu.memory_space<hbm>>) target(%arg15 : memref<128xf32, #tpu.memory_space<vmem>>) target_semaphore(%run_scoped3A : memref<!tpu.dma_semaphore, #tpu.memory_space<semaphore_mem>>)
      tpu.wait_dma2 semaphore(%run_scoped3A : memref<!tpu.dma_semaphore, #tpu.memory_space<semaphore_mem>>) src(%arg7 : memref<128xf32, #tpu.memory_space<hbm>>) dst(%arg15 : memref<128xf32, #tpu.memory_space<vmem>>)
      tpu.yield
    }) : () -> ()
    %get3A = arith.constant 0 : index
    %get3A_58 = tpu.vector_load %arg15[%get3A] {strides = array<i32>} : memref<128xf32, #tpu.memory_space<vmem>>, vector<16xf32>,
    %get3A_59 = arith.constant 16 : index
    %get3A_60 = tpu.vector_load %arg15[%get3A_59] {strides = array<i32>} : memref<128xf32, #tpu.memory_space<vmem>>, vector<16xf32>,
    %get3A_61 = arith.constant 32 : index
    %get3A_62 = tpu.vector_load %arg15[%get3A_61] {strides = array<i32>} : memref<128xf32, #tpu.memory_space<vmem>>, vector<16xf32>,
    %get3A_63 = arith.constant 48 : index
    %get3A_64 = tpu.vector_load %arg15[%get3A_63] {strides = array<i32>} : memref<128xf32, #tpu.memory_space<vmem>>, vector<16xf32>,
    %get3A_65 = arith.constant 64 : index
    %get3A_66 = tpu.vector_load %arg15[%get3A_65] {strides = array<i32>} : memref<128xf32, #tpu.memory_space<vmem>>, vector<16xf32>,
    %get3A_67 = arith.constant 80 : index
    %get3A_68 = tpu.vector_load %arg15[%get3A_67] {strides = array<i32>} : memref<128xf32, #tpu.memory_space<vmem>>, vector<16xf32>,
    %get3A_69 = arith.constant 96 : index
    %get3A_70 = tpu.vector_load %arg15[%get3A_69] {strides = array<i32>} : memref<128xf32, #tpu.memory_space<vmem>>, vector<16xf32>,
    %get3A_71 = arith.constant 112 : index
    %get3A_72 = tpu.vector_load %arg15[%get3A_71] {strides = array<i32>} : memref<128xf32, #tpu.memory_space<vmem>>, vector<16xf32>,
    %lt3A = arith.constant 4 : i32
    %lt3A_73 = arith.cmpi slt, %add3A, %lt3A : i32
    %jit3A_74 = arith.constant 1 : i32
    %jit3A_75 = arith.constant 0 : i32
    %select_n3A_76 = arith.select %lt3A_73, %jit3A_74, %jit3A_75 : i32
    %add3A_77 = arith.constant 78 : i32
    %add3A_78 = arith.addi %add3A_77, %select_n3A_76 : i32
    %while3A = arith.constant 0 : i32
    %while3A_79 = arith.constant 0 : i32
    %while3A_80 = arith.subi %add3A_78, %while3A_79 : i32
    %while3A_81 = arith.addi %while3A_79, %while3A_80 : i32
    %while3A_82 = arith.constant 1 : i32
    %while3A_83 = arith.divsi %while3A_80, %while3A_82 : i32
    %while3A_84 = arith.muli %while3A_83, %while3A_82 : i32
    %while3A_85 = arith.addi %while3A_79, %while3A_84 : i32
    %while3A_86 = arith.constant 1 : i32
    scf.for %while3A_97 = %while3A_79 to %while3A_85 step %while3A_86  : i32 {
      %mul3A_98 = arith.constant 32 : i32
      %mul3A_99 = arith.muli %while3A_97, %mul3A_98 : i32
      %add3A_100 = arith.addi %add3A, %mul3A_99 : i32
      %run_scoped3A = arith.constant 0 : i32
      "tpu.region"() ({
        %run_scoped3A_136 = tpu.sem_alloc : memref<!tpu.dma_semaphore, #tpu.memory_space<semaphore_mem>>
        %dma_start3A_137 = arith.constant 0 : i32
        %dma_start3A_138 = tpu.memref_slice %arg10[%run_scoped3A, %dma_start3A_137] : memref<2x128xi32, #tpu.memory_space<vmem>> -> memref<1x128xi32, #tpu.memory_space<vmem>>
        %dma_start3A_139 = tpu.memref_squeeze %dma_start3A_138 : memref<1x128xi32, #tpu.memory_space<vmem>> -> memref<128xi32, #tpu.memory_space<vmem>>
        %dma_start3A_140 = arith.constant 0 : i32
        %dma_start3A_141 = tpu.memref_slice %arg4[%add3A_100, %dma_start3A_140] : memref<2500x128xi32, #tpu.memory_space<hbm>> -> memref<1x128xi32, #tpu.memory_space<hbm>>
        %dma_start3A_142 = tpu.memref_squeeze %dma_start3A_141 : memref<1x128xi32, #tpu.memory_space<hbm>> -> memref<128xi32, #tpu.memory_space<hbm>>
        %dma_start3A_143 = arith.constant 0 : i32
        %dma_start3A_144 = tpu.memref_slice %arg10[%run_scoped3A, %dma_start3A_143] : memref<2x128xi32, #tpu.memory_space<vmem>> -> memref<1x128xi32, #tpu.memory_space<vmem>>
        %dma_start3A_145 = tpu.memref_squeeze %dma_start3A_144 : memref<1x128xi32, #tpu.memory_space<vmem>> -> memref<128xi32, #tpu.memory_space<vmem>>
        %dma_start3A_146 = arith.constant 0 : i32
        %dma_start3A_147 = tpu.memref_slice %arg4[%add3A_100, %dma_start3A_146] : memref<2500x128xi32, #tpu.memory_space<hbm>> -> memref<1x128xi32, #tpu.memory_space<hbm>>
        %dma_start3A_148 = tpu.memref_squeeze %dma_start3A_147 : memref<1x128xi32, #tpu.memory_space<hbm>> -> memref<128xi32, #tpu.memory_space<hbm>>
        tpu.enqueue_dma source(%dma_start3A_148 : memref<128xi32, #tpu.memory_space<hbm>>) target(%dma_start3A_145 : memref<128xi32, #tpu.memory_space<vmem>>) target_semaphore(%run_scoped3A_136 : memref<!tpu.dma_semaphore, #tpu.memory_space<semaphore_mem>>)
        %dma_wait3A_149 = arith.constant 0 : i32
        %dma_wait3A_150 = tpu.memref_slice %arg10[%run_scoped3A, %dma_wait3A_149] : memref<2x128xi32, #tpu.memory_space<vmem>> -> memref<1x128xi32, #tpu.memory_space<vmem>>
        %dma_wait3A_151 = tpu.memref_squeeze %dma_wait3A_150 : memref<1x128xi32, #tpu.memory_space<vmem>> -> memref<128xi32, #tpu.memory_space<vmem>>
        %dma_wait3A_152 = arith.constant 0 : i32
        %dma_wait3A_153 = tpu.memref_slice %arg4[%add3A_100, %dma_wait3A_152] : memref<2500x128xi32, #tpu.memory_space<hbm>> -> memref<1x128xi32, #tpu.memory_space<hbm>>
        %dma_wait3A_154 = tpu.memref_squeeze %dma_wait3A_153 : memref<1x128xi32, #tpu.memory_space<hbm>> -> memref<128xi32, #tpu.memory_space<hbm>>
        %dma_wait3A_155 = arith.constant 0 : i32
        %dma_wait3A_156 = tpu.memref_slice %arg10[%run_scoped3A, %dma_wait3A_155] : memref<2x128xi32, #tpu.memory_space<vmem>> -> memref<1x128xi32, #tpu.memory_space<vmem>>
        %dma_wait3A_157 = tpu.memref_squeeze %dma_wait3A_156 : memref<1x128xi32, #tpu.memory_space<vmem>> -> memref<128xi32, #tpu.memory_space<vmem>>
        %dma_wait3A_158 = arith.constant 0 : i32
        %dma_wait3A_159 = tpu.memref_slice %arg4[%add3A_100, %dma_wait3A_158] : memref<2500x128xi32, #tpu.memory_space<hbm>> -> memref<1x128xi32, #tpu.memory_space<hbm>>
        %dma_wait3A_160 = tpu.memref_squeeze %dma_wait3A_159 : memref<1x128xi32, #tpu.memory_space<hbm>> -> memref<128xi32, #tpu.memory_space<hbm>>
        tpu.wait_dma2 semaphore(%run_scoped3A_136 : memref<!tpu.dma_semaphore, #tpu.memory_space<semaphore_mem>>) src(%dma_wait3A_160 : memref<128xi32, #tpu.memory_space<hbm>>) dst(%dma_wait3A_157 : memref<128xi32, #tpu.memory_space<vmem>>)
        tpu.yield
      }) : () -> ()
      %run_scoped3A_101 = arith.constant 1 : i32
      "tpu.region"() ({
        %run_scoped3A_136 = tpu.sem_alloc : memref<!tpu.dma_semaphore, #tpu.memory_space<semaphore_mem>>
        %dma_start3A_137 = arith.constant 0 : i32
        %dma_start3A_138 = tpu.memref_slice %arg10[%run_scoped3A_101, %dma_start3A_137] : memref<2x128xi32, #tpu.memory_space<vmem>> -> memref<1x128xi32, #tpu.memory_space<vmem>>
        %dma_start3A_139 = tpu.memref_squeeze %dma_start3A_138 : memref<1x128xi32, #tpu.memory_space<vmem>> -> memref<128xi32, #tpu.memory_space<vmem>>
        %dma_start3A_140 = arith.constant 0 : i32
        %dma_start3A_141 = tpu.memref_slice %arg5[%add3A_100, %dma_start3A_140] : memref<2500x128xi32, #tpu.memory_space<hbm>> -> memref<1x128xi32, #tpu.memory_space<hbm>>
        %dma_start3A_142 = tpu.memref_squeeze %dma_start3A_141 : memref<1x128xi32, #tpu.memory_space<hbm>> -> memref<128xi32, #tpu.memory_space<hbm>>
        %dma_start3A_143 = arith.constant 0 : i32
        %dma_start3A_144 = tpu.memref_slice %arg10[%run_scoped3A_101, %dma_start3A_143] : memref<2x128xi32, #tpu.memory_space<vmem>> -> memref<1x128xi32, #tpu.memory_space<vmem>>
        %dma_start3A_145 = tpu.memref_squeeze %dma_start3A_144 : memref<1x128xi32, #tpu.memory_space<vmem>> -> memref<128xi32, #tpu.memory_space<vmem>>
        %dma_start3A_146 = arith.constant 0 : i32
        %dma_start3A_147 = tpu.memref_slice %arg5[%add3A_100, %dma_start3A_146] : memref<2500x128xi32, #tpu.memory_space<hbm>> -> memref<1x128xi32, #tpu.memory_space<hbm>>
        %dma_start3A_148 = tpu.memref_squeeze %dma_start3A_147 : memref<1x128xi32, #tpu.memory_space<hbm>> -> memref<128xi32, #tpu.memory_space<hbm>>
        tpu.enqueue_dma source(%dma_start3A_148 : memref<128xi32, #tpu.memory_space<hbm>>) target(%dma_start3A_145 : memref<128xi32, #tpu.memory_space<vmem>>) target_semaphore(%run_scoped3A_136 : memref<!tpu.dma_semaphore, #tpu.memory_space<semaphore_mem>>)
        %dma_wait3A_149 = arith.constant 0 : i32
        %dma_wait3A_150 = tpu.memref_slice %arg10[%run_scoped3A_101, %dma_wait3A_149] : memref<2x128xi32, #tpu.memory_space<vmem>> -> memref<1x128xi32, #tpu.memory_space<vmem>>
        %dma_wait3A_151 = tpu.memref_squeeze %dma_wait3A_150 : memref<1x128xi32, #tpu.memory_space<vmem>> -> memref<128xi32, #tpu.memory_space<vmem>>
        %dma_wait3A_152 = arith.constant 0 : i32
        %dma_wait3A_153 = tpu.memref_slice %arg5[%add3A_100, %dma_wait3A_152] : memref<2500x128xi32, #tpu.memory_space<hbm>> -> memref<1x128xi32, #tpu.memory_space<hbm>>
        %dma_wait3A_154 = tpu.memref_squeeze %dma_wait3A_153 : memref<1x128xi32, #tpu.memory_space<hbm>> -> memref<128xi32, #tpu.memory_space<hbm>>
        %dma_wait3A_155 = arith.constant 0 : i32
        %dma_wait3A_156 = tpu.memref_slice %arg10[%run_scoped3A_101, %dma_wait3A_155] : memref<2x128xi32, #tpu.memory_space<vmem>> -> memref<1x128xi32, #tpu.memory_space<vmem>>
        %dma_wait3A_157 = tpu.memref_squeeze %dma_wait3A_156 : memref<1x128xi32, #tpu.memory_space<vmem>> -> memref<128xi32, #tpu.memory_space<vmem>>
        %dma_wait3A_158 = arith.constant 0 : i32
        %dma_wait3A_159 = tpu.memref_slice %arg5[%add3A_100, %dma_wait3A_158] : memref<2500x128xi32, #tpu.memory_space<hbm>> -> memref<1x128xi32, #tpu.memory_space<hbm>>
        %dma_wait3A_160 = tpu.memref_squeeze %dma_wait3A_159 : memref<1x128xi32, #tpu.memory_space<hbm>> -> memref<128xi32, #tpu.memory_space<hbm>>
        tpu.wait_dma2 semaphore(%run_scoped3A_136 : memref<!tpu.dma_semaphore, #tpu.memory_space<semaphore_mem>>) src(%dma_wait3A_160 : memref<128xi32, #tpu.memory_space<hbm>>) dst(%dma_wait3A_157 : memref<128xi32, #tpu.memory_space<vmem>>)
        tpu.yield
      }) : () -> ()
      "tpu.region"() ({
        %run_scoped3A_136 = tpu.sem_alloc : memref<!tpu.dma_semaphore, #tpu.memory_space<semaphore_mem>>
        %dma_start3A_137 = arith.constant 0 : i32
        %dma_start3A_138 = tpu.memref_slice %arg6[%add3A_100, %dma_start3A_137] : memref<2500x128xf32, #tpu.memory_space<hbm>> -> memref<1x128xf32, #tpu.memory_space<hbm>>
        %dma_start3A_139 = tpu.memref_squeeze %dma_start3A_138 : memref<1x128xf32, #tpu.memory_space<hbm>> -> memref<128xf32, #tpu.memory_space<hbm>>
        %dma_start3A_140 = arith.constant 0 : i32
        %dma_start3A_141 = tpu.memref_slice %arg6[%add3A_100, %dma_start3A_140] : memref<2500x128xf32, #tpu.memory_space<hbm>> -> memref<1x128xf32, #tpu.memory_space<hbm>>
        %dma_start3A_142 = tpu.memref_squeeze %dma_start3A_141 : memref<1x128xf32, #tpu.memory_space<hbm>> -> memref<128xf32, #tpu.memory_space<hbm>>
        tpu.enqueue_dma source(%dma_start3A_142 : memref<128xf32, #tpu.memory_space<hbm>>) target(%arg11 : memref<128xf32, #tpu.memory_space<vmem>>) target_semaphore(%run_scoped3A_136 : memref<!tpu.dma_semaphore, #tpu.memory_space<semaphore_mem>>)
        %dma_wait3A_143 = arith.constant 0 : i32
        %dma_wait3A_144 = tpu.memref_slice %arg6[%add3A_100, %dma_wait3A_143] : memref<2500x128xf32, #tpu.memory_space<hbm>> -> memref<1x128xf32, #tpu.memory_space<hbm>>
        %dma_wait3A_145 = tpu.memref_squeeze %dma_wait3A_144 : memref<1x128xf32, #tpu.memory_space<hbm>> -> memref<128xf32, #tpu.memory_space<hbm>>
        %dma_wait3A_146 = arith.constant 0 : i32
        %dma_wait3A_147 = tpu.memref_slice %arg6[%add3A_100, %dma_wait3A_146] : memref<2500x128xf32, #tpu.memory_space<hbm>> -> memref<1x128xf32, #tpu.memory_space<hbm>>
        %dma_wait3A_148 = tpu.memref_squeeze %dma_wait3A_147 : memref<1x128xf32, #tpu.memory_space<hbm>> -> memref<128xf32, #tpu.memory_space<hbm>>
        tpu.wait_dma2 semaphore(%run_scoped3A_136 : memref<!tpu.dma_semaphore, #tpu.memory_space<semaphore_mem>>) src(%dma_wait3A_148 : memref<128xf32, #tpu.memory_space<hbm>>) dst(%arg11 : memref<128xf32, #tpu.memory_space<vmem>>)
        tpu.yield
      }) : () -> ()
      %dma_start3A = arith.constant 0 : i32
      %dma_start3A_102 = arith.constant 0 : i32
      %dma_start3A_103 = tpu.memref_slice %arg10[%dma_start3A, %dma_start3A_102] : memref<2x128xi32, #tpu.memory_space<vmem>> -> memref<1x128xi32, #tpu.memory_space<vmem>>
      %dma_start3A_104 = tpu.memref_squeeze %dma_start3A_103 : memref<1x128xi32, #tpu.memory_space<vmem>> -> memref<128xi32, #tpu.memory_space<vmem>>
      %dma_start3A_105 = arith.constant 0 : i32
      %dma_start3A_106 = arith.constant 0 : i32
      %dma_start3A_107 = tpu.memref_slice %arg2[%dma_start3A_105, %dma_start3A_106] : memref<10000x128xf32, #tpu.memory_space<hbm>> -> memref<10000x128xf32, #tpu.memory_space<hbm>>
      tpu.enqueue_indirect_dma source(%dma_start3A_107 : memref<10000x128xf32, #tpu.memory_space<hbm>>) target(%arg12 : memref<128x128xf32, #tpu.memory_space<vmem>>) offsets(%dma_start3A_104 : memref<128xi32, #tpu.memory_space<vmem>>) semaphore(%arg18 : memref<!tpu.dma_semaphore, #tpu.memory_space<semaphore_mem>>)
      %dma_start3A_108 = arith.constant 1 : i32
      %dma_start3A_109 = arith.constant 0 : i32
      %dma_start3A_110 = tpu.memref_slice %arg10[%dma_start3A_108, %dma_start3A_109] : memref<2x128xi32, #tpu.memory_space<vmem>> -> memref<1x128xi32, #tpu.memory_space<vmem>>
      %dma_start3A_111 = tpu.memref_squeeze %dma_start3A_110 : memref<1x128xi32, #tpu.memory_space<vmem>> -> memref<128xi32, #tpu.memory_space<vmem>>
      %dma_start3A_112 = arith.constant 0 : i32
      %dma_start3A_113 = arith.constant 0 : i32
      %dma_start3A_114 = tpu.memref_slice %arg3[%dma_start3A_112, %dma_start3A_113] : memref<10000x128xf32, #tpu.memory_space<hbm>> -> memref<10000x128xf32, #tpu.memory_space<hbm>>
      tpu.enqueue_indirect_dma source(%dma_start3A_114 : memref<10000x128xf32, #tpu.memory_space<hbm>>) target(%arg13 : memref<128x128xf32, #tpu.memory_space<vmem>>) offsets(%dma_start3A_111 : memref<128xi32, #tpu.memory_space<vmem>>) semaphore(%arg19 : memref<!tpu.dma_semaphore, #tpu.memory_space<semaphore_mem>>)
      %dma_wait3A = arith.constant 0 : i32
      %dma_wait3A_115 = arith.constant 0 : i32
      %dma_wait3A_116 = tpu.memref_slice %arg10[%dma_wait3A, %dma_wait3A_115] : memref<2x128xi32, #tpu.memory_space<vmem>> -> memref<1x128xi32, #tpu.memory_space<vmem>>
      %dma_wait3A_117 = tpu.memref_squeeze %dma_wait3A_116 : memref<1x128xi32, #tpu.memory_space<vmem>> -> memref<128xi32, #tpu.memory_space<vmem>>
      %dma_wait3A_118 = arith.constant 0 : i32
      %dma_wait3A_119 = arith.constant 0 : i32
      %dma_wait3A_120 = tpu.memref_slice %arg2[%dma_wait3A_118, %dma_wait3A_119] : memref<10000x128xf32, #tpu.memory_space<hbm>> -> memref<10000x128xf32, #tpu.memory_space<hbm>>
      tpu.wait_indirect_dma semaphore(%arg18 : memref<!tpu.dma_semaphore, #tpu.memory_space<semaphore_mem>>) src(%dma_wait3A_120 : memref<10000x128xf32, #tpu.memory_space<hbm>>) dst(%arg12 : memref<128x128xf32, #tpu.memory_space<vmem>>)
      %dma_wait3A_121 = arith.constant 1 : i32
      %dma_wait3A_122 = arith.constant 0 : i32
      %dma_wait3A_123 = tpu.memref_slice %arg10[%dma_wait3A_121, %dma_wait3A_122] : memref<2x128xi32, #tpu.memory_space<vmem>> -> memref<1x128xi32, #tpu.memory_space<vmem>>
      %dma_wait3A_124 = tpu.memref_squeeze %dma_wait3A_123 : memref<1x128xi32, #tpu.memory_space<vmem>> -> memref<128xi32, #tpu.memory_space<vmem>>
      %dma_wait3A_125 = arith.constant 0 : i32
      %dma_wait3A_126 = arith.constant 0 : i32
      %dma_wait3A_127 = tpu.memref_slice %arg3[%dma_wait3A_125, %dma_wait3A_126] : memref<10000x128xf32, #tpu.memory_space<hbm>> -> memref<10000x128xf32, #tpu.memory_space<hbm>>
      tpu.wait_indirect_dma semaphore(%arg19 : memref<!tpu.dma_semaphore, #tpu.memory_space<semaphore_mem>>) src(%dma_wait3A_127 : memref<10000x128xf32, #tpu.memory_space<hbm>>) dst(%arg13 : memref<128x128xf32, #tpu.memory_space<vmem>>)
      %scan3A_128 = arith.constant 0 : i32
      %scan3A_129 = arith.constant 0 : i32
      %scan3A_130 = arith.constant 128 : i32
      %scan3A_131 = arith.addi %scan3A_129, %scan3A_130 : i32
      %scan3A_132 = arith.constant 1 : i32
      scf.for %scan3A_136 = %scan3A_129 to %scan3A_131 step %scan3A_132  : i32 {
        %broadcast_in_dim3A_137 = vector.broadcast %scan3A_136 : i32 to vector<16xi32>
        %gather3A = tpu.vector_load_idx %arg11[%broadcast_in_dim3A_137] : memref<128xf32, #tpu.memory_space<vmem>>[vector<16xi32>], vector<16xf32>,
        %get3A_138 = arith.index_cast %scan3A_136 : i32 to index
        %get3A_139 = arith.constant 0 : index
        %get3A_140 = tpu.vector_load %arg12[%get3A_138, %get3A_139] {strides = array<i32>} : memref<128x128xf32, #tpu.memory_space<vmem>>, vector<16xf32>,
        %get3A_141 = arith.index_cast %scan3A_136 : i32 to index
        %get3A_142 = arith.constant 0 : index
        %get3A_143 = tpu.vector_load %arg13[%get3A_141, %get3A_142] {strides = array<i32>} : memref<128x128xf32, #tpu.memory_space<vmem>>, vector<16xf32>,
        %add3A_144 = arith.addf %get3A_140, %get3A_143 : vector<16xf32>
        %mul3A_145 = arith.mulf %gather3A, %get3A_58 : vector<16xf32>
        %add3A_146 = arith.addf %add3A_144, %mul3A_145 : vector<16xf32>
        %max3A = arith.constant 0.000000e+00 : f32
        %max3A_147 = vector.broadcast %max3A : f32 to vector<16xf32>
        %max3A_148 = arith.maximumf %add3A_146, %max3A_147 : vector<16xf32>
        %swap3A = arith.index_cast %scan3A_136 : i32 to index
        %swap3A_149 = arith.constant 0 : index
        %swap3A_150 = tpu.vector_load %arg12[%swap3A, %swap3A_149] {strides = array<i32>} : memref<128x128xf32, #tpu.memory_space<vmem>>, vector<16xf32>,
        tpu.vector_store %arg12[%swap3A, %swap3A_149], %max3A_148 {strides = array<i32>} : memref<128x128xf32, #tpu.memory_space<vmem>>, vector<16xf32>,
        %get3A_151 = arith.index_cast %scan3A_136 : i32 to index
        %get3A_152 = arith.constant 16 : index
        %get3A_153 = tpu.vector_load %arg12[%get3A_151, %get3A_152] {strides = array<i32>} : memref<128x128xf32, #tpu.memory_space<vmem>>, vector<16xf32>,
        %get3A_154 = arith.index_cast %scan3A_136 : i32 to index
        %get3A_155 = arith.constant 16 : index
        %get3A_156 = tpu.vector_load %arg13[%get3A_154, %get3A_155] {strides = array<i32>} : memref<128x128xf32, #tpu.memory_space<vmem>>, vector<16xf32>,
        %add3A_157 = arith.addf %get3A_153, %get3A_156 : vector<16xf32>
        %mul3A_158 = arith.mulf %gather3A, %get3A_60 : vector<16xf32>
        %add3A_159 = arith.addf %add3A_157, %mul3A_158 : vector<16xf32>
        %max3A_160 = arith.constant 0.000000e+00 : f32
        %max3A_161 = vector.broadcast %max3A_160 : f32 to vector<16xf32>
        %max3A_162 = arith.maximumf %add3A_159, %max3A_161 : vector<16xf32>
        %swap3A_163 = arith.index_cast %scan3A_136 : i32 to index
        %swap3A_164 = arith.constant 16 : index
        %swap3A_165 = tpu.vector_load %arg12[%swap3A_163, %swap3A_164] {strides = array<i32>} : memref<128x128xf32, #tpu.memory_space<vmem>>, vector<16xf32>,
        tpu.vector_store %arg12[%swap3A_163, %swap3A_164], %max3A_162 {strides = array<i32>} : memref<128x128xf32, #tpu.memory_space<vmem>>, vector<16xf32>,
        %get3A_166 = arith.index_cast %scan3A_136 : i32 to index
        %get3A_167 = arith.constant 32 : index
        %get3A_168 = tpu.vector_load %arg12[%get3A_166, %get3A_167] {strides = array<i32>} : memref<128x128xf32, #tpu.memory_space<vmem>>, vector<16xf32>,
        %get3A_169 = arith.index_cast %scan3A_136 : i32 to index
        %get3A_170 = arith.constant 32 : index
        %get3A_171 = tpu.vector_load %arg13[%get3A_169, %get3A_170] {strides = array<i32>} : memref<128x128xf32, #tpu.memory_space<vmem>>, vector<16xf32>,
        %add3A_172 = arith.addf %get3A_168, %get3A_171 : vector<16xf32>
        %mul3A_173 = arith.mulf %gather3A, %get3A_62 : vector<16xf32>
        %add3A_174 = arith.addf %add3A_172, %mul3A_173 : vector<16xf32>
        %max3A_175 = arith.constant 0.000000e+00 : f32
        %max3A_176 = vector.broadcast %max3A_175 : f32 to vector<16xf32>
        %max3A_177 = arith.maximumf %add3A_174, %max3A_176 : vector<16xf32>
        %swap3A_178 = arith.index_cast %scan3A_136 : i32 to index
        %swap3A_179 = arith.constant 32 : index
        %swap3A_180 = tpu.vector_load %arg12[%swap3A_178, %swap3A_179] {strides = array<i32>} : memref<128x128xf32, #tpu.memory_space<vmem>>, vector<16xf32>,
        tpu.vector_store %arg12[%swap3A_178, %swap3A_179], %max3A_177 {strides = array<i32>} : memref<128x128xf32, #tpu.memory_space<vmem>>, vector<16xf32>,
        %get3A_181 = arith.index_cast %scan3A_136 : i32 to index
        %get3A_182 = arith.constant 48 : index
        %get3A_183 = tpu.vector_load %arg12[%get3A_181, %get3A_182] {strides = array<i32>} : memref<128x128xf32, #tpu.memory_space<vmem>>, vector<16xf32>,
        %get3A_184 = arith.index_cast %scan3A_136 : i32 to index
        %get3A_185 = arith.constant 48 : index
        %get3A_186 = tpu.vector_load %arg13[%get3A_184, %get3A_185] {strides = array<i32>} : memref<128x128xf32, #tpu.memory_space<vmem>>, vector<16xf32>,
        %add3A_187 = arith.addf %get3A_183, %get3A_186 : vector<16xf32>
        %mul3A_188 = arith.mulf %gather3A, %get3A_64 : vector<16xf32>
        %add3A_189 = arith.addf %add3A_187, %mul3A_188 : vector<16xf32>
        %max3A_190 = arith.constant 0.000000e+00 : f32
        %max3A_191 = vector.broadcast %max3A_190 : f32 to vector<16xf32>
        %max3A_192 = arith.maximumf %add3A_189, %max3A_191 : vector<16xf32>
        %swap3A_193 = arith.index_cast %scan3A_136 : i32 to index
        %swap3A_194 = arith.constant 48 : index
        %swap3A_195 = tpu.vector_load %arg12[%swap3A_193, %swap3A_194] {strides = array<i32>} : memref<128x128xf32, #tpu.memory_space<vmem>>, vector<16xf32>,
        tpu.vector_store %arg12[%swap3A_193, %swap3A_194], %max3A_192 {strides = array<i32>} : memref<128x128xf32, #tpu.memory_space<vmem>>, vector<16xf32>,
        %get3A_196 = arith.index_cast %scan3A_136 : i32 to index
        %get3A_197 = arith.constant 64 : index
        %get3A_198 = tpu.vector_load %arg12[%get3A_196, %get3A_197] {strides = array<i32>} : memref<128x128xf32, #tpu.memory_space<vmem>>, vector<16xf32>,
        %get3A_199 = arith.index_cast %scan3A_136 : i32 to index
        %get3A_200 = arith.constant 64 : index
        %get3A_201 = tpu.vector_load %arg13[%get3A_199, %get3A_200] {strides = array<i32>} : memref<128x128xf32, #tpu.memory_space<vmem>>, vector<16xf32>,
        %add3A_202 = arith.addf %get3A_198, %get3A_201 : vector<16xf32>
        %mul3A_203 = arith.mulf %gather3A, %get3A_66 : vector<16xf32>
        %add3A_204 = arith.addf %add3A_202, %mul3A_203 : vector<16xf32>
        %max3A_205 = arith.constant 0.000000e+00 : f32
        %max3A_206 = vector.broadcast %max3A_205 : f32 to vector<16xf32>
        %max3A_207 = arith.maximumf %add3A_204, %max3A_206 : vector<16xf32>
        %swap3A_208 = arith.index_cast %scan3A_136 : i32 to index
        %swap3A_209 = arith.constant 64 : index
        %swap3A_210 = tpu.vector_load %arg12[%swap3A_208, %swap3A_209] {strides = array<i32>} : memref<128x128xf32, #tpu.memory_space<vmem>>, vector<16xf32>,
        tpu.vector_store %arg12[%swap3A_208, %swap3A_209], %max3A_207 {strides = array<i32>} : memref<128x128xf32, #tpu.memory_space<vmem>>, vector<16xf32>,
        %get3A_211 = arith.index_cast %scan3A_136 : i32 to index
        %get3A_212 = arith.constant 80 : index
        %get3A_213 = tpu.vector_load %arg12[%get3A_211, %get3A_212] {strides = array<i32>} : memref<128x128xf32, #tpu.memory_space<vmem>>, vector<16xf32>,
        %get3A_214 = arith.index_cast %scan3A_136 : i32 to index
        %get3A_215 = arith.constant 80 : index
        %get3A_216 = tpu.vector_load %arg13[%get3A_214, %get3A_215] {strides = array<i32>} : memref<128x128xf32, #tpu.memory_space<vmem>>, vector<16xf32>,
        %add3A_217 = arith.addf %get3A_213, %get3A_216 : vector<16xf32>
        %mul3A_218 = arith.mulf %gather3A, %get3A_68 : vector<16xf32>
        %add3A_219 = arith.addf %add3A_217, %mul3A_218 : vector<16xf32>
        %max3A_220 = arith.constant 0.000000e+00 : f32
        %max3A_221 = vector.broadcast %max3A_220 : f32 to vector<16xf32>
        %max3A_222 = arith.maximumf %add3A_219, %max3A_221 : vector<16xf32>
        %swap3A_223 = arith.index_cast %scan3A_136 : i32 to index
        %swap3A_224 = arith.constant 80 : index
        %swap3A_225 = tpu.vector_load %arg12[%swap3A_223, %swap3A_224] {strides = array<i32>} : memref<128x128xf32, #tpu.memory_space<vmem>>, vector<16xf32>,
        tpu.vector_store %arg12[%swap3A_223, %swap3A_224], %max3A_222 {strides = array<i32>} : memref<128x128xf32, #tpu.memory_space<vmem>>, vector<16xf32>,
        %get3A_226 = arith.index_cast %scan3A_136 : i32 to index
        %get3A_227 = arith.constant 96 : index
        %get3A_228 = tpu.vector_load %arg12[%get3A_226, %get3A_227] {strides = array<i32>} : memref<128x128xf32, #tpu.memory_space<vmem>>, vector<16xf32>,
        %get3A_229 = arith.index_cast %scan3A_136 : i32 to index
        %get3A_230 = arith.constant 96 : index
        %get3A_231 = tpu.vector_load %arg13[%get3A_229, %get3A_230] {strides = array<i32>} : memref<128x128xf32, #tpu.memory_space<vmem>>, vector<16xf32>,
        %add3A_232 = arith.addf %get3A_228, %get3A_231 : vector<16xf32>
        %mul3A_233 = arith.mulf %gather3A, %get3A_70 : vector<16xf32>
        %add3A_234 = arith.addf %add3A_232, %mul3A_233 : vector<16xf32>
        %max3A_235 = arith.constant 0.000000e+00 : f32
        %max3A_236 = vector.broadcast %max3A_235 : f32 to vector<16xf32>
        %max3A_237 = arith.maximumf %add3A_234, %max3A_236 : vector<16xf32>
        %swap3A_238 = arith.index_cast %scan3A_136 : i32 to index
        %swap3A_239 = arith.constant 96 : index
        %swap3A_240 = tpu.vector_load %arg12[%swap3A_238, %swap3A_239] {strides = array<i32>} : memref<128x128xf32, #tpu.memory_space<vmem>>, vector<16xf32>,
        tpu.vector_store %arg12[%swap3A_238, %swap3A_239], %max3A_237 {strides = array<i32>} : memref<128x128xf32, #tpu.memory_space<vmem>>, vector<16xf32>,
        %get3A_241 = arith.index_cast %scan3A_136 : i32 to index
        %get3A_242 = arith.constant 112 : index
        %get3A_243 = tpu.vector_load %arg12[%get3A_241, %get3A_242] {strides = array<i32>} : memref<128x128xf32, #tpu.memory_space<vmem>>, vector<16xf32>,
        %get3A_244 = arith.index_cast %scan3A_136 : i32 to index
        %get3A_245 = arith.constant 112 : index
        %get3A_246 = tpu.vector_load %arg13[%get3A_244, %get3A_245] {strides = array<i32>} : memref<128x128xf32, #tpu.memory_space<vmem>>, vector<16xf32>,
        %add3A_247 = arith.addf %get3A_243, %get3A_246 : vector<16xf32>
        %mul3A_248 = arith.mulf %gather3A, %get3A_72 : vector<16xf32>
        %add3A_249 = arith.addf %add3A_247, %mul3A_248 : vector<16xf32>
        %max3A_250 = arith.constant 0.000000e+00 : f32
        %max3A_251 = vector.broadcast %max3A_250 : f32 to vector<16xf32>
        %max3A_252 = arith.maximumf %add3A_249, %max3A_251 : vector<16xf32>
        %swap3A_253 = arith.index_cast %scan3A_136 : i32 to index
        %swap3A_254 = arith.constant 112 : index
        %swap3A_255 = tpu.vector_load %arg12[%swap3A_253, %swap3A_254] {strides = array<i32>} : memref<128x128xf32, #tpu.memory_space<vmem>>, vector<16xf32>,
        tpu.vector_store %arg12[%swap3A_253, %swap3A_254], %max3A_252 {strides = array<i32>} : memref<128x128xf32, #tpu.memory_space<vmem>>, vector<16xf32>,
      }
      %scan3A_133 = arith.constant 128 : i32
      %run_scoped3A_134 = arith.constant 1 : i32
      "tpu.region"() ({
        %run_scoped3A_136 = tpu.sem_alloc : memref<!tpu.dma_semaphore, #tpu.memory_space<semaphore_mem>>
        %dma_start3A_137 = arith.constant 0 : i32
        %dma_start3A_138 = tpu.memref_slice %arg10[%run_scoped3A_134, %dma_start3A_137] : memref<2x128xi32, #tpu.memory_space<vmem>> -> memref<1x128xi32, #tpu.memory_space<vmem>>
        %dma_start3A_139 = tpu.memref_squeeze %dma_start3A_138 : memref<1x128xi32, #tpu.memory_space<vmem>> -> memref<128xi32, #tpu.memory_space<vmem>>
        %dma_start3A_140 = arith.constant 0 : i32
        %dma_start3A_141 = arith.constant 0 : i32
        %dma_start3A_142 = tpu.memref_slice %arg16[%dma_start3A_140, %dma_start3A_141] : memref<10000x128xf32, #tpu.memory_space<vmem_shared>> -> memref<10000x128xf32, #tpu.memory_space<vmem_shared>>
        tpu.enqueue_indirect_dma source(%arg12 : memref<128x128xf32, #tpu.memory_space<vmem>>) target(%dma_start3A_142 : memref<10000x128xf32, #tpu.memory_space<vmem_shared>>) offsets(%dma_start3A_139 : memref<128xi32, #tpu.memory_space<vmem>>) semaphore(%run_scoped3A_136 : memref<!tpu.dma_semaphore, #tpu.memory_space<semaphore_mem>>) {add = true}
        %dma_wait3A_143 = arith.constant 0 : i32
        %dma_wait3A_144 = tpu.memref_slice %arg10[%run_scoped3A_134, %dma_wait3A_143] : memref<2x128xi32, #tpu.memory_space<vmem>> -> memref<1x128xi32, #tpu.memory_space<vmem>>
        %dma_wait3A_145 = tpu.memref_squeeze %dma_wait3A_144 : memref<1x128xi32, #tpu.memory_space<vmem>> -> memref<128xi32, #tpu.memory_space<vmem>>
        %dma_wait3A_146 = arith.constant 0 : i32
        %dma_wait3A_147 = arith.constant 0 : i32
        %dma_wait3A_148 = tpu.memref_slice %arg16[%dma_wait3A_146, %dma_wait3A_147] : memref<10000x128xf32, #tpu.memory_space<vmem_shared>> -> memref<10000x128xf32, #tpu.memory_space<vmem_shared>>
        tpu.wait_indirect_dma semaphore(%run_scoped3A_136 : memref<!tpu.dma_semaphore, #tpu.memory_space<semaphore_mem>>) src(%arg12 : memref<128x128xf32, #tpu.memory_space<vmem>>) dst(%dma_wait3A_148 : memref<10000x128xf32, #tpu.memory_space<vmem_shared>>)
        tpu.yield
      }) : () -> ()
      %run_scoped3A_135 = arith.constant 1 : i32
      "tpu.region"() ({
        %run_scoped3A_136 = tpu.sem_alloc : memref<!tpu.dma_semaphore, #tpu.memory_space<semaphore_mem>>
        %dma_start3A_137 = arith.constant 0 : i32
        %dma_start3A_138 = tpu.memref_slice %arg10[%run_scoped3A_135, %dma_start3A_137] : memref<2x128xi32, #tpu.memory_space<vmem>> -> memref<1x128xi32, #tpu.memory_space<vmem>>
        %dma_start3A_139 = tpu.memref_squeeze %dma_start3A_138 : memref<1x128xi32, #tpu.memory_space<vmem>> -> memref<128xi32, #tpu.memory_space<vmem>>
        %dma_start3A_140 = arith.constant 0 : i32
        %dma_start3A_141 = arith.constant 0 : i32
        %dma_start3A_142 = tpu.memref_slice %arg17[%dma_start3A_140, %dma_start3A_141] : memref<10000x16xf32, #tpu.memory_space<vmem_shared>> -> memref<10000x16xf32, #tpu.memory_space<vmem_shared>>
        tpu.enqueue_indirect_dma source(%arg14 : memref<128x16xf32, #tpu.memory_space<vmem>>) target(%dma_start3A_142 : memref<10000x16xf32, #tpu.memory_space<vmem_shared>>) offsets(%dma_start3A_139 : memref<128xi32, #tpu.memory_space<vmem>>) semaphore(%run_scoped3A_136 : memref<!tpu.dma_semaphore, #tpu.memory_space<semaphore_mem>>) {add = true}
        %dma_wait3A_143 = arith.constant 0 : i32
        %dma_wait3A_144 = tpu.memref_slice %arg10[%run_scoped3A_135, %dma_wait3A_143] : memref<2x128xi32, #tpu.memory_space<vmem>> -> memref<1x128xi32, #tpu.memory_space<vmem>>
        %dma_wait3A_145 = tpu.memref_squeeze %dma_wait3A_144 : memref<1x128xi32, #tpu.memory_space<vmem>> -> memref<128xi32, #tpu.memory_space<vmem>>
        %dma_wait3A_146 = arith.constant 0 : i32
        %dma_wait3A_147 = arith.constant 0 : i32
        %dma_wait3A_148 = tpu.memref_slice %arg17[%dma_wait3A_146, %dma_wait3A_147] : memref<10000x16xf32, #tpu.memory_space<vmem_shared>> -> memref<10000x16xf32, #tpu.memory_space<vmem_shared>>
        tpu.wait_indirect_dma semaphore(%run_scoped3A_136 : memref<!tpu.dma_semaphore, #tpu.memory_space<semaphore_mem>>) src(%arg14 : memref<128x16xf32, #tpu.memory_space<vmem>>) dst(%dma_wait3A_148 : memref<10000x16xf32, #tpu.memory_space<vmem_shared>>)
        tpu.yield
      }) : () -> ()
    }
    %while3A_87 = arith.constant 1 : i32
    scf.for %while3A_97 = %while3A_85 to %while3A_81 step %while3A_87  : i32 {
      %mul3A_98 = arith.constant 32 : i32
      %mul3A_99 = arith.muli %while3A_97, %mul3A_98 : i32
      %add3A_100 = arith.addi %add3A, %mul3A_99 : i32
      %run_scoped3A = arith.constant 0 : i32
      "tpu.region"() ({
        %run_scoped3A_136 = tpu.sem_alloc : memref<!tpu.dma_semaphore, #tpu.memory_space<semaphore_mem>>
        %dma_start3A_137 = arith.constant 0 : i32
        %dma_start3A_138 = tpu.memref_slice %arg10[%run_scoped3A, %dma_start3A_137] : memref<2x128xi32, #tpu.memory_space<vmem>> -> memref<1x128xi32, #tpu.memory_space<vmem>>
        %dma_start3A_139 = tpu.memref_squeeze %dma_start3A_138 : memref<1x128xi32, #tpu.memory_space<vmem>> -> memref<128xi32, #tpu.memory_space<vmem>>
        %dma_start3A_140 = arith.constant 0 : i32
        %dma_start3A_141 = tpu.memref_slice %arg4[%add3A_100, %dma_start3A_140] : memref<2500x128xi32, #tpu.memory_space<hbm>> -> memref<1x128xi32, #tpu.memory_space<hbm>>
        %dma_start3A_142 = tpu.memref_squeeze %dma_start3A_141 : memref<1x128xi32, #tpu.memory_space<hbm>> -> memref<128xi32, #tpu.memory_space<hbm>>
        %dma_start3A_143 = arith.constant 0 : i32
        %dma_start3A_144 = tpu.memref_slice %arg10[%run_scoped3A, %dma_start3A_143] : memref<2x128xi32, #tpu.memory_space<vmem>> -> memref<1x128xi32, #tpu.memory_space<vmem>>
        %dma_start3A_145 = tpu.memref_squeeze %dma_start3A_144 : memref<1x128xi32, #tpu.memory_space<vmem>> -> memref<128xi32, #tpu.memory_space<vmem>>
        %dma_start3A_146 = arith.constant 0 : i32
        %dma_start3A_147 = tpu.memref_slice %arg4[%add3A_100, %dma_start3A_146] : memref<2500x128xi32, #tpu.memory_space<hbm>> -> memref<1x128xi32, #tpu.memory_space<hbm>>
        %dma_start3A_148 = tpu.memref_squeeze %dma_start3A_147 : memref<1x128xi32, #tpu.memory_space<hbm>> -> memref<128xi32, #tpu.memory_space<hbm>>
        tpu.enqueue_dma source(%dma_start3A_148 : memref<128xi32, #tpu.memory_space<hbm>>) target(%dma_start3A_145 : memref<128xi32, #tpu.memory_space<vmem>>) target_semaphore(%run_scoped3A_136 : memref<!tpu.dma_semaphore, #tpu.memory_space<semaphore_mem>>)
        %dma_wait3A_149 = arith.constant 0 : i32
        %dma_wait3A_150 = tpu.memref_slice %arg10[%run_scoped3A, %dma_wait3A_149] : memref<2x128xi32, #tpu.memory_space<vmem>> -> memref<1x128xi32, #tpu.memory_space<vmem>>
        %dma_wait3A_151 = tpu.memref_squeeze %dma_wait3A_150 : memref<1x128xi32, #tpu.memory_space<vmem>> -> memref<128xi32, #tpu.memory_space<vmem>>
        %dma_wait3A_152 = arith.constant 0 : i32
        %dma_wait3A_153 = tpu.memref_slice %arg4[%add3A_100, %dma_wait3A_152] : memref<2500x128xi32, #tpu.memory_space<hbm>> -> memref<1x128xi32, #tpu.memory_space<hbm>>
        %dma_wait3A_154 = tpu.memref_squeeze %dma_wait3A_153 : memref<1x128xi32, #tpu.memory_space<hbm>> -> memref<128xi32, #tpu.memory_space<hbm>>
        %dma_wait3A_155 = arith.constant 0 : i32
        %dma_wait3A_156 = tpu.memref_slice %arg10[%run_scoped3A, %dma_wait3A_155] : memref<2x128xi32, #tpu.memory_space<vmem>> -> memref<1x128xi32, #tpu.memory_space<vmem>>
        %dma_wait3A_157 = tpu.memref_squeeze %dma_wait3A_156 : memref<1x128xi32, #tpu.memory_space<vmem>> -> memref<128xi32, #tpu.memory_space<vmem>>
        %dma_wait3A_158 = arith.constant 0 : i32
        %dma_wait3A_159 = tpu.memref_slice %arg4[%add3A_100, %dma_wait3A_158] : memref<2500x128xi32, #tpu.memory_space<hbm>> -> memref<1x128xi32, #tpu.memory_space<hbm>>
        %dma_wait3A_160 = tpu.memref_squeeze %dma_wait3A_159 : memref<1x128xi32, #tpu.memory_space<hbm>> -> memref<128xi32, #tpu.memory_space<hbm>>
        tpu.wait_dma2 semaphore(%run_scoped3A_136 : memref<!tpu.dma_semaphore, #tpu.memory_space<semaphore_mem>>) src(%dma_wait3A_160 : memref<128xi32, #tpu.memory_space<hbm>>) dst(%dma_wait3A_157 : memref<128xi32, #tpu.memory_space<vmem>>)
        tpu.yield
      }) : () -> ()
      %run_scoped3A_101 = arith.constant 1 : i32
      "tpu.region"() ({
        %run_scoped3A_136 = tpu.sem_alloc : memref<!tpu.dma_semaphore, #tpu.memory_space<semaphore_mem>>
        %dma_start3A_137 = arith.constant 0 : i32
        %dma_start3A_138 = tpu.memref_slice %arg10[%run_scoped3A_101, %dma_start3A_137] : memref<2x128xi32, #tpu.memory_space<vmem>> -> memref<1x128xi32, #tpu.memory_space<vmem>>
        %dma_start3A_139 = tpu.memref_squeeze %dma_start3A_138 : memref<1x128xi32, #tpu.memory_space<vmem>> -> memref<128xi32, #tpu.memory_space<vmem>>
        %dma_start3A_140 = arith.constant 0 : i32
        %dma_start3A_141 = tpu.memref_slice %arg5[%add3A_100, %dma_start3A_140] : memref<2500x128xi32, #tpu.memory_space<hbm>> -> memref<1x128xi32, #tpu.memory_space<hbm>>
        %dma_start3A_142 = tpu.memref_squeeze %dma_start3A_141 : memref<1x128xi32, #tpu.memory_space<hbm>> -> memref<128xi32, #tpu.memory_space<hbm>>
        %dma_start3A_143 = arith.constant 0 : i32
        %dma_start3A_144 = tpu.memref_slice %arg10[%run_scoped3A_101, %dma_start3A_143] : memref<2x128xi32, #tpu.memory_space<vmem>> -> memref<1x128xi32, #tpu.memory_space<vmem>>
        %dma_start3A_145 = tpu.memref_squeeze %dma_start3A_144 : memref<1x128xi32, #tpu.memory_space<vmem>> -> memref<128xi32, #tpu.memory_space<vmem>>
        %dma_start3A_146 = arith.constant 0 : i32
        %dma_start3A_147 = tpu.memref_slice %arg5[%add3A_100, %dma_start3A_146] : memref<2500x128xi32, #tpu.memory_space<hbm>> -> memref<1x128xi32, #tpu.memory_space<hbm>>
        %dma_start3A_148 = tpu.memref_squeeze %dma_start3A_147 : memref<1x128xi32, #tpu.memory_space<hbm>> -> memref<128xi32, #tpu.memory_space<hbm>>
        tpu.enqueue_dma source(%dma_start3A_148 : memref<128xi32, #tpu.memory_space<hbm>>) target(%dma_start3A_145 : memref<128xi32, #tpu.memory_space<vmem>>) target_semaphore(%run_scoped3A_136 : memref<!tpu.dma_semaphore, #tpu.memory_space<semaphore_mem>>)
        %dma_wait3A_149 = arith.constant 0 : i32
        %dma_wait3A_150 = tpu.memref_slice %arg10[%run_scoped3A_101, %dma_wait3A_149] : memref<2x128xi32, #tpu.memory_space<vmem>> -> memref<1x128xi32, #tpu.memory_space<vmem>>
        %dma_wait3A_151 = tpu.memref_squeeze %dma_wait3A_150 : memref<1x128xi32, #tpu.memory_space<vmem>> -> memref<128xi32, #tpu.memory_space<vmem>>
        %dma_wait3A_152 = arith.constant 0 : i32
        %dma_wait3A_153 = tpu.memref_slice %arg5[%add3A_100, %dma_wait3A_152] : memref<2500x128xi32, #tpu.memory_space<hbm>> -> memref<1x128xi32, #tpu.memory_space<hbm>>
        %dma_wait3A_154 = tpu.memref_squeeze %dma_wait3A_153 : memref<1x128xi32, #tpu.memory_space<hbm>> -> memref<128xi32, #tpu.memory_space<hbm>>
        %dma_wait3A_155 = arith.constant 0 : i32
        %dma_wait3A_156 = tpu.memref_slice %arg10[%run_scoped3A_101, %dma_wait3A_155] : memref<2x128xi32, #tpu.memory_space<vmem>> -> memref<1x128xi32, #tpu.memory_space<vmem>>
        %dma_wait3A_157 = tpu.memref_squeeze %dma_wait3A_156 : memref<1x128xi32, #tpu.memory_space<vmem>> -> memref<128xi32, #tpu.memory_space<vmem>>
        %dma_wait3A_158 = arith.constant 0 : i32
        %dma_wait3A_159 = tpu.memref_slice %arg5[%add3A_100, %dma_wait3A_158] : memref<2500x128xi32, #tpu.memory_space<hbm>> -> memref<1x128xi32, #tpu.memory_space<hbm>>
        %dma_wait3A_160 = tpu.memref_squeeze %dma_wait3A_159 : memref<1x128xi32, #tpu.memory_space<hbm>> -> memref<128xi32, #tpu.memory_space<hbm>>
        tpu.wait_dma2 semaphore(%run_scoped3A_136 : memref<!tpu.dma_semaphore, #tpu.memory_space<semaphore_mem>>) src(%dma_wait3A_160 : memref<128xi32, #tpu.memory_space<hbm>>) dst(%dma_wait3A_157 : memref<128xi32, #tpu.memory_space<vmem>>)
        tpu.yield
      }) : () -> ()
      "tpu.region"() ({
        %run_scoped3A_136 = tpu.sem_alloc : memref<!tpu.dma_semaphore, #tpu.memory_space<semaphore_mem>>
        %dma_start3A_137 = arith.constant 0 : i32
        %dma_start3A_138 = tpu.memref_slice %arg6[%add3A_100, %dma_start3A_137] : memref<2500x128xf32, #tpu.memory_space<hbm>> -> memref<1x128xf32, #tpu.memory_space<hbm>>
        %dma_start3A_139 = tpu.memref_squeeze %dma_start3A_138 : memref<1x128xf32, #tpu.memory_space<hbm>> -> memref<128xf32, #tpu.memory_space<hbm>>
        %dma_start3A_140 = arith.constant 0 : i32
        %dma_start3A_141 = tpu.memref_slice %arg6[%add3A_100, %dma_start3A_140] : memref<2500x128xf32, #tpu.memory_space<hbm>> -> memref<1x128xf32, #tpu.memory_space<hbm>>
        %dma_start3A_142 = tpu.memref_squeeze %dma_start3A_141 : memref<1x128xf32, #tpu.memory_space<hbm>> -> memref<128xf32, #tpu.memory_space<hbm>>
        tpu.enqueue_dma source(%dma_start3A_142 : memref<128xf32, #tpu.memory_space<hbm>>) target(%arg11 : memref<128xf32, #tpu.memory_space<vmem>>) target_semaphore(%run_scoped3A_136 : memref<!tpu.dma_semaphore, #tpu.memory_space<semaphore_mem>>)
        %dma_wait3A_143 = arith.constant 0 : i32
        %dma_wait3A_144 = tpu.memref_slice %arg6[%add3A_100, %dma_wait3A_143] : memref<2500x128xf32, #tpu.memory_space<hbm>> -> memref<1x128xf32, #tpu.memory_space<hbm>>
        %dma_wait3A_145 = tpu.memref_squeeze %dma_wait3A_144 : memref<1x128xf32, #tpu.memory_space<hbm>> -> memref<128xf32, #tpu.memory_space<hbm>>
        %dma_wait3A_146 = arith.constant 0 : i32
        %dma_wait3A_147 = tpu.memref_slice %arg6[%add3A_100, %dma_wait3A_146] : memref<2500x128xf32, #tpu.memory_space<hbm>> -> memref<1x128xf32, #tpu.memory_space<hbm>>
        %dma_wait3A_148 = tpu.memref_squeeze %dma_wait3A_147 : memref<1x128xf32, #tpu.memory_space<hbm>> -> memref<128xf32, #tpu.memory_space<hbm>>
        tpu.wait_dma2 semaphore(%run_scoped3A_136 : memref<!tpu.dma_semaphore, #tpu.memory_space<semaphore_mem>>) src(%dma_wait3A_148 : memref<128xf32, #tpu.memory_space<hbm>>) dst(%arg11 : memref<128xf32, #tpu.memory_space<vmem>>)
        tpu.yield
      }) : () -> ()
      %dma_start3A = arith.constant 0 : i32
      %dma_start3A_102 = arith.constant 0 : i32
      %dma_start3A_103 = tpu.memref_slice %arg10[%dma_start3A, %dma_start3A_102] : memref<2x128xi32, #tpu.memory_space<vmem>> -> memref<1x128xi32, #tpu.memory_space<vmem>>
      %dma_start3A_104 = tpu.memref_squeeze %dma_start3A_103 : memref<1x128xi32, #tpu.memory_space<vmem>> -> memref<128xi32, #tpu.memory_space<vmem>>
      %dma_start3A_105 = arith.constant 0 : i32
      %dma_start3A_106 = arith.constant 0 : i32
      %dma_start3A_107 = tpu.memref_slice %arg2[%dma_start3A_105, %dma_start3A_106] : memref<10000x128xf32, #tpu.memory_space<hbm>> -> memref<10000x128xf32, #tpu.memory_space<hbm>>
      tpu.enqueue_indirect_dma source(%dma_start3A_107 : memref<10000x128xf32, #tpu.memory_space<hbm>>) target(%arg12 : memref<128x128xf32, #tpu.memory_space<vmem>>) offsets(%dma_start3A_104 : memref<128xi32, #tpu.memory_space<vmem>>) semaphore(%arg18 : memref<!tpu.dma_semaphore, #tpu.memory_space<semaphore_mem>>)
      %dma_start3A_108 = arith.constant 1 : i32
      %dma_start3A_109 = arith.constant 0 : i32
      %dma_start3A_110 = tpu.memref_slice %arg10[%dma_start3A_108, %dma_start3A_109] : memref<2x128xi32, #tpu.memory_space<vmem>> -> memref<1x128xi32, #tpu.memory_space<vmem>>
      %dma_start3A_111 = tpu.memref_squeeze %dma_start3A_110 : memref<1x128xi32, #tpu.memory_space<vmem>> -> memref<128xi32, #tpu.memory_space<vmem>>
      %dma_start3A_112 = arith.constant 0 : i32
      %dma_start3A_113 = arith.constant 0 : i32
      %dma_start3A_114 = tpu.memref_slice %arg3[%dma_start3A_112, %dma_start3A_113] : memref<10000x128xf32, #tpu.memory_space<hbm>> -> memref<10000x128xf32, #tpu.memory_space<hbm>>
      tpu.enqueue_indirect_dma source(%dma_start3A_114 : memref<10000x128xf32, #tpu.memory_space<hbm>>) target(%arg13 : memref<128x128xf32, #tpu.memory_space<vmem>>) offsets(%dma_start3A_111 : memref<128xi32, #tpu.memory_space<vmem>>) semaphore(%arg19 : memref<!tpu.dma_semaphore, #tpu.memory_space<semaphore_mem>>)
      %dma_wait3A = arith.constant 0 : i32
      %dma_wait3A_115 = arith.constant 0 : i32
      %dma_wait3A_116 = tpu.memref_slice %arg10[%dma_wait3A, %dma_wait3A_115] : memref<2x128xi32, #tpu.memory_space<vmem>> -> memref<1x128xi32, #tpu.memory_space<vmem>>
      %dma_wait3A_117 = tpu.memref_squeeze %dma_wait3A_116 : memref<1x128xi32, #tpu.memory_space<vmem>> -> memref<128xi32, #tpu.memory_space<vmem>>
      %dma_wait3A_118 = arith.constant 0 : i32
      %dma_wait3A_119 = arith.constant 0 : i32
      %dma_wait3A_120 = tpu.memref_slice %arg2[%dma_wait3A_118, %dma_wait3A_119] : memref<10000x128xf32, #tpu.memory_space<hbm>> -> memref<10000x128xf32, #tpu.memory_space<hbm>>
      tpu.wait_indirect_dma semaphore(%arg18 : memref<!tpu.dma_semaphore, #tpu.memory_space<semaphore_mem>>) src(%dma_wait3A_120 : memref<10000x128xf32, #tpu.memory_space<hbm>>) dst(%arg12 : memref<128x128xf32, #tpu.memory_space<vmem>>)
      %dma_wait3A_121 = arith.constant 1 : i32
      %dma_wait3A_122 = arith.constant 0 : i32
      %dma_wait3A_123 = tpu.memref_slice %arg10[%dma_wait3A_121, %dma_wait3A_122] : memref<2x128xi32, #tpu.memory_space<vmem>> -> memref<1x128xi32, #tpu.memory_space<vmem>>
      %dma_wait3A_124 = tpu.memref_squeeze %dma_wait3A_123 : memref<1x128xi32, #tpu.memory_space<vmem>> -> memref<128xi32, #tpu.memory_space<vmem>>
      %dma_wait3A_125 = arith.constant 0 : i32
      %dma_wait3A_126 = arith.constant 0 : i32
      %dma_wait3A_127 = tpu.memref_slice %arg3[%dma_wait3A_125, %dma_wait3A_126] : memref<10000x128xf32, #tpu.memory_space<hbm>> -> memref<10000x128xf32, #tpu.memory_space<hbm>>
      tpu.wait_indirect_dma semaphore(%arg19 : memref<!tpu.dma_semaphore, #tpu.memory_space<semaphore_mem>>) src(%dma_wait3A_127 : memref<10000x128xf32, #tpu.memory_space<hbm>>) dst(%arg13 : memref<128x128xf32, #tpu.memory_space<vmem>>)
      %scan3A_128 = arith.constant 0 : i32
      %scan3A_129 = arith.constant 0 : i32
      %scan3A_130 = arith.constant 128 : i32
      %scan3A_131 = arith.addi %scan3A_129, %scan3A_130 : i32
      %scan3A_132 = arith.constant 1 : i32
      scf.for %scan3A_136 = %scan3A_129 to %scan3A_131 step %scan3A_132  : i32 {
        %broadcast_in_dim3A_137 = vector.broadcast %scan3A_136 : i32 to vector<16xi32>
        %gather3A = tpu.vector_load_idx %arg11[%broadcast_in_dim3A_137] : memref<128xf32, #tpu.memory_space<vmem>>[vector<16xi32>], vector<16xf32>,
        %get3A_138 = arith.index_cast %scan3A_136 : i32 to index
        %get3A_139 = arith.constant 0 : index
        %get3A_140 = tpu.vector_load %arg12[%get3A_138, %get3A_139] {strides = array<i32>} : memref<128x128xf32, #tpu.memory_space<vmem>>, vector<16xf32>,
        %get3A_141 = arith.index_cast %scan3A_136 : i32 to index
        %get3A_142 = arith.constant 0 : index
        %get3A_143 = tpu.vector_load %arg13[%get3A_141, %get3A_142] {strides = array<i32>} : memref<128x128xf32, #tpu.memory_space<vmem>>, vector<16xf32>,
        %add3A_144 = arith.addf %get3A_140, %get3A_143 : vector<16xf32>
        %mul3A_145 = arith.mulf %gather3A, %get3A_58 : vector<16xf32>
        %add3A_146 = arith.addf %add3A_144, %mul3A_145 : vector<16xf32>
        %max3A = arith.constant 0.000000e+00 : f32
        %max3A_147 = vector.broadcast %max3A : f32 to vector<16xf32>
        %max3A_148 = arith.maximumf %add3A_146, %max3A_147 : vector<16xf32>
        %swap3A = arith.index_cast %scan3A_136 : i32 to index
        %swap3A_149 = arith.constant 0 : index
        %swap3A_150 = tpu.vector_load %arg12[%swap3A, %swap3A_149] {strides = array<i32>} : memref<128x128xf32, #tpu.memory_space<vmem>>, vector<16xf32>,
        tpu.vector_store %arg12[%swap3A, %swap3A_149], %max3A_148 {strides = array<i32>} : memref<128x128xf32, #tpu.memory_space<vmem>>, vector<16xf32>,
        %get3A_151 = arith.index_cast %scan3A_136 : i32 to index
        %get3A_152 = arith.constant 16 : index
        %get3A_153 = tpu.vector_load %arg12[%get3A_151, %get3A_152] {strides = array<i32>} : memref<128x128xf32, #tpu.memory_space<vmem>>, vector<16xf32>,
        %get3A_154 = arith.index_cast %scan3A_136 : i32 to index
        %get3A_155 = arith.constant 16 : index
        %get3A_156 = tpu.vector_load %arg13[%get3A_154, %get3A_155] {strides = array<i32>} : memref<128x128xf32, #tpu.memory_space<vmem>>, vector<16xf32>,
        %add3A_157 = arith.addf %get3A_153, %get3A_156 : vector<16xf32>
        %mul3A_158 = arith.mulf %gather3A, %get3A_60 : vector<16xf32>
        %add3A_159 = arith.addf %add3A_157, %mul3A_158 : vector<16xf32>
        %max3A_160 = arith.constant 0.000000e+00 : f32
        %max3A_161 = vector.broadcast %max3A_160 : f32 to vector<16xf32>
        %max3A_162 = arith.maximumf %add3A_159, %max3A_161 : vector<16xf32>
        %swap3A_163 = arith.index_cast %scan3A_136 : i32 to index
        %swap3A_164 = arith.constant 16 : index
        %swap3A_165 = tpu.vector_load %arg12[%swap3A_163, %swap3A_164] {strides = array<i32>} : memref<128x128xf32, #tpu.memory_space<vmem>>, vector<16xf32>,
        tpu.vector_store %arg12[%swap3A_163, %swap3A_164], %max3A_162 {strides = array<i32>} : memref<128x128xf32, #tpu.memory_space<vmem>>, vector<16xf32>,
        %get3A_166 = arith.index_cast %scan3A_136 : i32 to index
        %get3A_167 = arith.constant 32 : index
        %get3A_168 = tpu.vector_load %arg12[%get3A_166, %get3A_167] {strides = array<i32>} : memref<128x128xf32, #tpu.memory_space<vmem>>, vector<16xf32>,
        %get3A_169 = arith.index_cast %scan3A_136 : i32 to index
        %get3A_170 = arith.constant 32 : index
        %get3A_171 = tpu.vector_load %arg13[%get3A_169, %get3A_170] {strides = array<i32>} : memref<128x128xf32, #tpu.memory_space<vmem>>, vector<16xf32>,
        %add3A_172 = arith.addf %get3A_168, %get3A_171 : vector<16xf32>
        %mul3A_173 = arith.mulf %gather3A, %get3A_62 : vector<16xf32>
        %add3A_174 = arith.addf %add3A_172, %mul3A_173 : vector<16xf32>
        %max3A_175 = arith.constant 0.000000e+00 : f32
        %max3A_176 = vector.broadcast %max3A_175 : f32 to vector<16xf32>
        %max3A_177 = arith.maximumf %add3A_174, %max3A_176 : vector<16xf32>
        %swap3A_178 = arith.index_cast %scan3A_136 : i32 to index
        %swap3A_179 = arith.constant 32 : index
        %swap3A_180 = tpu.vector_load %arg12[%swap3A_178, %swap3A_179] {strides = array<i32>} : memref<128x128xf32, #tpu.memory_space<vmem>>, vector<16xf32>,
        tpu.vector_store %arg12[%swap3A_178, %swap3A_179], %max3A_177 {strides = array<i32>} : memref<128x128xf32, #tpu.memory_space<vmem>>, vector<16xf32>,
        %get3A_181 = arith.index_cast %scan3A_136 : i32 to index
        %get3A_182 = arith.constant 48 : index
        %get3A_183 = tpu.vector_load %arg12[%get3A_181, %get3A_182] {strides = array<i32>} : memref<128x128xf32, #tpu.memory_space<vmem>>, vector<16xf32>,
        %get3A_184 = arith.index_cast %scan3A_136 : i32 to index
        %get3A_185 = arith.constant 48 : index
        %get3A_186 = tpu.vector_load %arg13[%get3A_184, %get3A_185] {strides = array<i32>} : memref<128x128xf32, #tpu.memory_space<vmem>>, vector<16xf32>,
        %add3A_187 = arith.addf %get3A_183, %get3A_186 : vector<16xf32>
        %mul3A_188 = arith.mulf %gather3A, %get3A_64 : vector<16xf32>
        %add3A_189 = arith.addf %add3A_187, %mul3A_188 : vector<16xf32>
        %max3A_190 = arith.constant 0.000000e+00 : f32
        %max3A_191 = vector.broadcast %max3A_190 : f32 to vector<16xf32>
        %max3A_192 = arith.maximumf %add3A_189, %max3A_191 : vector<16xf32>
        %swap3A_193 = arith.index_cast %scan3A_136 : i32 to index
        %swap3A_194 = arith.constant 48 : index
        %swap3A_195 = tpu.vector_load %arg12[%swap3A_193, %swap3A_194] {strides = array<i32>} : memref<128x128xf32, #tpu.memory_space<vmem>>, vector<16xf32>,
        tpu.vector_store %arg12[%swap3A_193, %swap3A_194], %max3A_192 {strides = array<i32>} : memref<128x128xf32, #tpu.memory_space<vmem>>, vector<16xf32>,
        %get3A_196 = arith.index_cast %scan3A_136 : i32 to index
        %get3A_197 = arith.constant 64 : index
        %get3A_198 = tpu.vector_load %arg12[%get3A_196, %get3A_197] {strides = array<i32>} : memref<128x128xf32, #tpu.memory_space<vmem>>, vector<16xf32>,
        %get3A_199 = arith.index_cast %scan3A_136 : i32 to index
        %get3A_200 = arith.constant 64 : index
        %get3A_201 = tpu.vector_load %arg13[%get3A_199, %get3A_200] {strides = array<i32>} : memref<128x128xf32, #tpu.memory_space<vmem>>, vector<16xf32>,
        %add3A_202 = arith.addf %get3A_198, %get3A_201 : vector<16xf32>
        %mul3A_203 = arith.mulf %gather3A, %get3A_66 : vector<16xf32>
        %add3A_204 = arith.addf %add3A_202, %mul3A_203 : vector<16xf32>
        %max3A_205 = arith.constant 0.000000e+00 : f32
        %max3A_206 = vector.broadcast %max3A_205 : f32 to vector<16xf32>
        %max3A_207 = arith.maximumf %add3A_204, %max3A_206 : vector<16xf32>
        %swap3A_208 = arith.index_cast %scan3A_136 : i32 to index
        %swap3A_209 = arith.constant 64 : index
        %swap3A_210 = tpu.vector_load %arg12[%swap3A_208, %swap3A_209] {strides = array<i32>} : memref<128x128xf32, #tpu.memory_space<vmem>>, vector<16xf32>,
        tpu.vector_store %arg12[%swap3A_208, %swap3A_209], %max3A_207 {strides = array<i32>} : memref<128x128xf32, #tpu.memory_space<vmem>>, vector<16xf32>,
        %get3A_211 = arith.index_cast %scan3A_136 : i32 to index
        %get3A_212 = arith.constant 80 : index
        %get3A_213 = tpu.vector_load %arg12[%get3A_211, %get3A_212] {strides = array<i32>} : memref<128x128xf32, #tpu.memory_space<vmem>>, vector<16xf32>,
        %get3A_214 = arith.index_cast %scan3A_136 : i32 to index
        %get3A_215 = arith.constant 80 : index
        %get3A_216 = tpu.vector_load %arg13[%get3A_214, %get3A_215] {strides = array<i32>} : memref<128x128xf32, #tpu.memory_space<vmem>>, vector<16xf32>,
        %add3A_217 = arith.addf %get3A_213, %get3A_216 : vector<16xf32>
        %mul3A_218 = arith.mulf %gather3A, %get3A_68 : vector<16xf32>
        %add3A_219 = arith.addf %add3A_217, %mul3A_218 : vector<16xf32>
        %max3A_220 = arith.constant 0.000000e+00 : f32
        %max3A_221 = vector.broadcast %max3A_220 : f32 to vector<16xf32>
        %max3A_222 = arith.maximumf %add3A_219, %max3A_221 : vector<16xf32>
        %swap3A_223 = arith.index_cast %scan3A_136 : i32 to index
        %swap3A_224 = arith.constant 80 : index
        %swap3A_225 = tpu.vector_load %arg12[%swap3A_223, %swap3A_224] {strides = array<i32>} : memref<128x128xf32, #tpu.memory_space<vmem>>, vector<16xf32>,
        tpu.vector_store %arg12[%swap3A_223, %swap3A_224], %max3A_222 {strides = array<i32>} : memref<128x128xf32, #tpu.memory_space<vmem>>, vector<16xf32>,
        %get3A_226 = arith.index_cast %scan3A_136 : i32 to index
        %get3A_227 = arith.constant 96 : index
        %get3A_228 = tpu.vector_load %arg12[%get3A_226, %get3A_227] {strides = array<i32>} : memref<128x128xf32, #tpu.memory_space<vmem>>, vector<16xf32>,
        %get3A_229 = arith.index_cast %scan3A_136 : i32 to index
        %get3A_230 = arith.constant 96 : index
        %get3A_231 = tpu.vector_load %arg13[%get3A_229, %get3A_230] {strides = array<i32>} : memref<128x128xf32, #tpu.memory_space<vmem>>, vector<16xf32>,
        %add3A_232 = arith.addf %get3A_228, %get3A_231 : vector<16xf32>
        %mul3A_233 = arith.mulf %gather3A, %get3A_70 : vector<16xf32>
        %add3A_234 = arith.addf %add3A_232, %mul3A_233 : vector<16xf32>
        %max3A_235 = arith.constant 0.000000e+00 : f32
        %max3A_236 = vector.broadcast %max3A_235 : f32 to vector<16xf32>
        %max3A_237 = arith.maximumf %add3A_234, %max3A_236 : vector<16xf32>
        %swap3A_238 = arith.index_cast %scan3A_136 : i32 to index
        %swap3A_239 = arith.constant 96 : index
        %swap3A_240 = tpu.vector_load %arg12[%swap3A_238, %swap3A_239] {strides = array<i32>} : memref<128x128xf32, #tpu.memory_space<vmem>>, vector<16xf32>,
        tpu.vector_store %arg12[%swap3A_238, %swap3A_239], %max3A_237 {strides = array<i32>} : memref<128x128xf32, #tpu.memory_space<vmem>>, vector<16xf32>,
        %get3A_241 = arith.index_cast %scan3A_136 : i32 to index
        %get3A_242 = arith.constant 112 : index
        %get3A_243 = tpu.vector_load %arg12[%get3A_241, %get3A_242] {strides = array<i32>} : memref<128x128xf32, #tpu.memory_space<vmem>>, vector<16xf32>,
        %get3A_244 = arith.index_cast %scan3A_136 : i32 to index
        %get3A_245 = arith.constant 112 : index
        %get3A_246 = tpu.vector_load %arg13[%get3A_244, %get3A_245] {strides = array<i32>} : memref<128x128xf32, #tpu.memory_space<vmem>>, vector<16xf32>,
        %add3A_247 = arith.addf %get3A_243, %get3A_246 : vector<16xf32>
        %mul3A_248 = arith.mulf %gather3A, %get3A_72 : vector<16xf32>
        %add3A_249 = arith.addf %add3A_247, %mul3A_248 : vector<16xf32>
        %max3A_250 = arith.constant 0.000000e+00 : f32
        %max3A_251 = vector.broadcast %max3A_250 : f32 to vector<16xf32>
        %max3A_252 = arith.maximumf %add3A_249, %max3A_251 : vector<16xf32>
        %swap3A_253 = arith.index_cast %scan3A_136 : i32 to index
        %swap3A_254 = arith.constant 112 : index
        %swap3A_255 = tpu.vector_load %arg12[%swap3A_253, %swap3A_254] {strides = array<i32>} : memref<128x128xf32, #tpu.memory_space<vmem>>, vector<16xf32>,
        tpu.vector_store %arg12[%swap3A_253, %swap3A_254], %max3A_252 {strides = array<i32>} : memref<128x128xf32, #tpu.memory_space<vmem>>, vector<16xf32>,
      }
      %scan3A_133 = arith.constant 128 : i32
      %run_scoped3A_134 = arith.constant 1 : i32
      "tpu.region"() ({
        %run_scoped3A_136 = tpu.sem_alloc : memref<!tpu.dma_semaphore, #tpu.memory_space<semaphore_mem>>
        %dma_start3A_137 = arith.constant 0 : i32
        %dma_start3A_138 = tpu.memref_slice %arg10[%run_scoped3A_134, %dma_start3A_137] : memref<2x128xi32, #tpu.memory_space<vmem>> -> memref<1x128xi32, #tpu.memory_space<vmem>>
        %dma_start3A_139 = tpu.memref_squeeze %dma_start3A_138 : memref<1x128xi32, #tpu.memory_space<vmem>> -> memref<128xi32, #tpu.memory_space<vmem>>
        %dma_start3A_140 = arith.constant 0 : i32
        %dma_start3A_141 = arith.constant 0 : i32
        %dma_start3A_142 = tpu.memref_slice %arg16[%dma_start3A_140, %dma_start3A_141] : memref<10000x128xf32, #tpu.memory_space<vmem_shared>> -> memref<10000x128xf32, #tpu.memory_space<vmem_shared>>
        tpu.enqueue_indirect_dma source(%arg12 : memref<128x128xf32, #tpu.memory_space<vmem>>) target(%dma_start3A_142 : memref<10000x128xf32, #tpu.memory_space<vmem_shared>>) offsets(%dma_start3A_139 : memref<128xi32, #tpu.memory_space<vmem>>) semaphore(%run_scoped3A_136 : memref<!tpu.dma_semaphore, #tpu.memory_space<semaphore_mem>>) {add = true}
        %dma_wait3A_143 = arith.constant 0 : i32
        %dma_wait3A_144 = tpu.memref_slice %arg10[%run_scoped3A_134, %dma_wait3A_143] : memref<2x128xi32, #tpu.memory_space<vmem>> -> memref<1x128xi32, #tpu.memory_space<vmem>>
        %dma_wait3A_145 = tpu.memref_squeeze %dma_wait3A_144 : memref<1x128xi32, #tpu.memory_space<vmem>> -> memref<128xi32, #tpu.memory_space<vmem>>
        %dma_wait3A_146 = arith.constant 0 : i32
        %dma_wait3A_147 = arith.constant 0 : i32
        %dma_wait3A_148 = tpu.memref_slice %arg16[%dma_wait3A_146, %dma_wait3A_147] : memref<10000x128xf32, #tpu.memory_space<vmem_shared>> -> memref<10000x128xf32, #tpu.memory_space<vmem_shared>>
        tpu.wait_indirect_dma semaphore(%run_scoped3A_136 : memref<!tpu.dma_semaphore, #tpu.memory_space<semaphore_mem>>) src(%arg12 : memref<128x128xf32, #tpu.memory_space<vmem>>) dst(%dma_wait3A_148 : memref<10000x128xf32, #tpu.memory_space<vmem_shared>>)
        tpu.yield
      }) : () -> ()
      %run_scoped3A_135 = arith.constant 1 : i32
      "tpu.region"() ({
        %run_scoped3A_136 = tpu.sem_alloc : memref<!tpu.dma_semaphore, #tpu.memory_space<semaphore_mem>>
        %dma_start3A_137 = arith.constant 0 : i32
        %dma_start3A_138 = tpu.memref_slice %arg10[%run_scoped3A_135, %dma_start3A_137] : memref<2x128xi32, #tpu.memory_space<vmem>> -> memref<1x128xi32, #tpu.memory_space<vmem>>
        %dma_start3A_139 = tpu.memref_squeeze %dma_start3A_138 : memref<1x128xi32, #tpu.memory_space<vmem>> -> memref<128xi32, #tpu.memory_space<vmem>>
        %dma_start3A_140 = arith.constant 0 : i32
        %dma_start3A_141 = arith.constant 0 : i32
        %dma_start3A_142 = tpu.memref_slice %arg17[%dma_start3A_140, %dma_start3A_141] : memref<10000x16xf32, #tpu.memory_space<vmem_shared>> -> memref<10000x16xf32, #tpu.memory_space<vmem_shared>>
        tpu.enqueue_indirect_dma source(%arg14 : memref<128x16xf32, #tpu.memory_space<vmem>>) target(%dma_start3A_142 : memref<10000x16xf32, #tpu.memory_space<vmem_shared>>) offsets(%dma_start3A_139 : memref<128xi32, #tpu.memory_space<vmem>>) semaphore(%run_scoped3A_136 : memref<!tpu.dma_semaphore, #tpu.memory_space<semaphore_mem>>) {add = true}
        %dma_wait3A_143 = arith.constant 0 : i32
        %dma_wait3A_144 = tpu.memref_slice %arg10[%run_scoped3A_135, %dma_wait3A_143] : memref<2x128xi32, #tpu.memory_space<vmem>> -> memref<1x128xi32, #tpu.memory_space<vmem>>
        %dma_wait3A_145 = tpu.memref_squeeze %dma_wait3A_144 : memref<1x128xi32, #tpu.memory_space<vmem>> -> memref<128xi32, #tpu.memory_space<vmem>>
        %dma_wait3A_146 = arith.constant 0 : i32
        %dma_wait3A_147 = arith.constant 0 : i32
        %dma_wait3A_148 = tpu.memref_slice %arg17[%dma_wait3A_146, %dma_wait3A_147] : memref<10000x16xf32, #tpu.memory_space<vmem_shared>> -> memref<10000x16xf32, #tpu.memory_space<vmem_shared>>
        tpu.wait_indirect_dma semaphore(%run_scoped3A_136 : memref<!tpu.dma_semaphore, #tpu.memory_space<semaphore_mem>>) src(%arg14 : memref<128x16xf32, #tpu.memory_space<vmem>>) dst(%dma_wait3A_148 : memref<10000x16xf32, #tpu.memory_space<vmem_shared>>)
        tpu.yield
      }) : () -> ()
    }
    %barrier3A_88 = arith.constant 0 : index
    tpu.barrier barrier_id(%barrier3A_88)
    %mul3A_89 = arith.constant 625 : i32
    %mul3A_90 = arith.muli %arg1, %mul3A_89 : i32
    %mul3A_91 = arith.constant 625 : i32
    %mul3A_92 = arith.muli %arg1, %mul3A_91 : i32
    "tpu.region"() ({
      %run_scoped3A = tpu.sem_alloc : memref<!tpu.dma_semaphore, #tpu.memory_space<semaphore_mem>>
      %dma_start3A = arith.constant 0 : i32
      %dma_start3A_97 = tpu.memref_slice %arg8[%arg0, %mul3A_92, %dma_start3A] : memref<2x10000x128xf32, #tpu.memory_space<hbm>> -> memref<1x625x128xf32, #tpu.memory_space<hbm>>
      %dma_start3A_98 = tpu.memref_squeeze %dma_start3A_97 : memref<1x625x128xf32, #tpu.memory_space<hbm>> -> memref<625x128xf32, #tpu.memory_space<hbm>>
      %dma_start3A_99 = arith.constant 0 : i32
      %dma_start3A_100 = tpu.memref_slice %arg16[%mul3A_90, %dma_start3A_99] : memref<10000x128xf32, #tpu.memory_space<vmem_shared>> -> memref<625x128xf32, #tpu.memory_space<vmem_shared>>
      tpu.enqueue_dma source(%dma_start3A_100 : memref<625x128xf32, #tpu.memory_space<vmem_shared>>) target(%dma_start3A_98 : memref<625x128xf32, #tpu.memory_space<hbm>>) target_semaphore(%run_scoped3A : memref<!tpu.dma_semaphore, #tpu.memory_space<semaphore_mem>>)
      %dma_wait3A = arith.constant 0 : i32
      %dma_wait3A_101 = tpu.memref_slice %arg8[%arg0, %mul3A_92, %dma_wait3A] : memref<2x10000x128xf32, #tpu.memory_space<hbm>> -> memref<1x625x128xf32, #tpu.memory_space<hbm>>
      %dma_wait3A_102 = tpu.memref_squeeze %dma_wait3A_101 : memref<1x625x128xf32, #tpu.memory_space<hbm>> -> memref<625x128xf32, #tpu.memory_space<hbm>>
      %dma_wait3A_103 = arith.constant 0 : i32
      %dma_wait3A_104 = tpu.memref_slice %arg16[%mul3A_90, %dma_wait3A_103] : memref<10000x128xf32, #tpu.memory_space<vmem_shared>> -> memref<625x128xf32, #tpu.memory_space<vmem_shared>>
      tpu.wait_dma2 semaphore(%run_scoped3A : memref<!tpu.dma_semaphore, #tpu.memory_space<semaphore_mem>>) src(%dma_wait3A_104 : memref<625x128xf32, #tpu.memory_space<vmem_shared>>) dst(%dma_wait3A_102 : memref<625x128xf32, #tpu.memory_space<hbm>>)
      tpu.yield
    }) : () -> ()
    %mul3A_93 = arith.constant 625 : i32
    %mul3A_94 = arith.muli %arg1, %mul3A_93 : i32
    %mul3A_95 = arith.constant 625 : i32
    %mul3A_96 = arith.muli %arg1, %mul3A_95 : i32
    "tpu.region"() ({
      %run_scoped3A = tpu.sem_alloc : memref<!tpu.dma_semaphore, #tpu.memory_space<semaphore_mem>>
      %dma_start3A = arith.constant 0 : i32
      %dma_start3A_97 = tpu.memref_slice %arg9[%arg0, %mul3A_96, %dma_start3A] : memref<2x10000x16xf32, #tpu.memory_space<hbm>> -> memref<1x625x16xf32, #tpu.memory_space<hbm>>
      %dma_start3A_98 = tpu.memref_squeeze %dma_start3A_97 : memref<1x625x16xf32, #tpu.memory_space<hbm>> -> memref<625x16xf32, #tpu.memory_space<hbm>>
      %dma_start3A_99 = arith.constant 0 : i32
      %dma_start3A_100 = tpu.memref_slice %arg17[%mul3A_94, %dma_start3A_99] : memref<10000x16xf32, #tpu.memory_space<vmem_shared>> -> memref<625x16xf32, #tpu.memory_space<vmem_shared>>
      tpu.enqueue_dma source(%dma_start3A_100 : memref<625x16xf32, #tpu.memory_space<vmem_shared>>) target(%dma_start3A_98 : memref<625x16xf32, #tpu.memory_space<hbm>>) target_semaphore(%run_scoped3A : memref<!tpu.dma_semaphore, #tpu.memory_space<semaphore_mem>>)
      %dma_wait3A = arith.constant 0 : i32
      %dma_wait3A_101 = tpu.memref_slice %arg9[%arg0, %mul3A_96, %dma_wait3A] : memref<2x10000x16xf32, #tpu.memory_space<hbm>> -> memref<1x625x16xf32, #tpu.memory_space<hbm>>
      %dma_wait3A_102 = tpu.memref_squeeze %dma_wait3A_101 : memref<1x625x16xf32, #tpu.memory_space<hbm>> -> memref<625x16xf32, #tpu.memory_space<hbm>>
      %dma_wait3A_103 = arith.constant 0 : i32
      %dma_wait3A_104 = tpu.memref_slice %arg17[%mul3A_94, %dma_wait3A_103] : memref<10000x16xf32, #tpu.memory_space<vmem_shared>> -> memref<625x16xf32, #tpu.memory_space<vmem_shared>>
      tpu.wait_dma2 semaphore(%run_scoped3A : memref<!tpu.dma_semaphore, #tpu.memory_space<semaphore_mem>>) src(%dma_wait3A_104 : memref<625x16xf32, #tpu.memory_space<vmem_shared>>) dst(%dma_wait3A_102 : memref<625x16xf32, #tpu.memory_space<hbm>>)
      tpu.yield
    }) : () -> ()
    return
  }
}

module attributes {stable_mosaic.version = 14 : i64} {
  func.func @_pre_body(%arg0: i32, %arg1: memref<1000x128xf32, #tpu.memory_space<vmem>>, %arg2: memref<128x128xf32, #tpu.memory_space<vmem>>, %arg3: memref<128x128xf32, #tpu.memory_space<vmem>>, %arg4: memref<1x128xf32, #tpu.memory_space<vmem>>, %arg5: memref<1000x128xf32, #tpu.memory_space<vmem>>, %arg6: memref<1000x128xf32, #tpu.memory_space<vmem>>) attributes {dimension_semantics = [#tpu.dimension_semantics<arbitrary>], iteration_bounds = array<i64: 10>, scalar_prefetch = 0 : i64, scratch_operands = 0 : i64, tpu.core_type = #tpu.core_type<tc>, window_params = [{transform_indices = @transform_0, window_bounds = array<i64: 1000, 128>}, {pipeline_mode = #tpu.pipeline_mode<synchronous>, transform_indices = @transform_1, window_bounds = array<i64: 128, 128>}, {pipeline_mode = #tpu.pipeline_mode<synchronous>, transform_indices = @transform_2, window_bounds = array<i64: 128, 128>}, {pipeline_mode = #tpu.pipeline_mode<synchronous>, transform_indices = @transform_3, window_bounds = array<i64: 1, 128>}, {transform_indices = @transform_4, window_bounds = array<i64: 1000, 128>}, {transform_indices = @transform_5, window_bounds = array<i64: 1000, 128>}]} {
    %get3A = arith.constant 0 : index
    %get3A_0 = arith.constant 0 : index
    %get3A_1 = vector.load %arg1[%get3A, %get3A_0] : memref<1000x128xf32, #tpu.memory_space<vmem>>, vector<1000x128xf32>
    %get3A_2 = arith.constant 0 : index
    %get3A_3 = arith.constant 0 : index
    %get3A_4 = vector.load %arg2[%get3A_2, %get3A_3] : memref<128x128xf32, #tpu.memory_space<vmem>>, vector<128x128xf32>
    %dot_general3A = arith.constant dense<0.000000e+00> : vector<1000x128xf32>
    %dot_general3A_5 = tpu.matmul %get3A_1, %get3A_4, %dot_general3A {dimension_numbers = #tpu.dot_dimension_numbers<[1], [0], [0], [1], [0, 0, 1, 1], [], []>, transpose_lhs_hint = false} : vector<1000x128xf32>, vector<128x128xf32>, vector<1000x128xf32> -> vector<1000x128xf32>
    %get3A_6 = arith.constant 0 : index
    %get3A_7 = arith.constant 0 : index
    %get3A_8 = vector.load %arg4[%get3A_6, %get3A_7] : memref<1x128xf32, #tpu.memory_space<vmem>>, vector<1x128xf32>
    %add3A = vector.broadcast %get3A_8 : vector<1x128xf32> to vector<1000x128xf32>
    %add3A_9 = arith.addf %dot_general3A_5, %add3A : vector<1000x128xf32>
    %swap3A = arith.constant 0 : index
    %swap3A_10 = arith.constant 0 : index
    %swap3A_11 = vector.load %arg5[%swap3A, %swap3A_10] : memref<1000x128xf32, #tpu.memory_space<vmem>>, vector<1000x128xf32>
    tpu.vector_store %arg5[%swap3A, %swap3A_10], %add3A_9 {strides = array<i32>} : memref<1000x128xf32, #tpu.memory_space<vmem>>, vector<1000x128xf32>,
    %get3A_12 = arith.constant 0 : index
    %get3A_13 = arith.constant 0 : index
    %get3A_14 = vector.load %arg3[%get3A_12, %get3A_13] : memref<128x128xf32, #tpu.memory_space<vmem>>, vector<128x128xf32>
    %dot_general3A_15 = arith.constant dense<0.000000e+00> : vector<1000x128xf32>
    %dot_general3A_16 = tpu.matmul %get3A_1, %get3A_14, %dot_general3A_15 {dimension_numbers = #tpu.dot_dimension_numbers<[1], [0], [0], [1], [0, 0, 1, 1], [], []>, transpose_lhs_hint = false} : vector<1000x128xf32>, vector<128x128xf32>, vector<1000x128xf32> -> vector<1000x128xf32>
    %swap3A_17 = arith.constant 0 : index
    %swap3A_18 = arith.constant 0 : index
    %swap3A_19 = vector.load %arg6[%swap3A_17, %swap3A_18] : memref<1000x128xf32, #tpu.memory_space<vmem>>, vector<1000x128xf32>
    tpu.vector_store %arg6[%swap3A_17, %swap3A_18], %dot_general3A_16 {strides = array<i32>} : memref<1000x128xf32, #tpu.memory_space<vmem>>, vector<1000x128xf32>,
    return
  }
  func.func @transform_0(%arg0: i32) -> (i32, i32) {
    %c0_i32 = arith.constant 0 : i32
    %c0_i32_0 = arith.constant 0 : i32
    return %arg0, %c0_i32 : i32, i32
  }
  func.func @transform_1(%arg0: i32) -> (i32, i32) {
    %c0_i32 = arith.constant 0 : i32
    %c0_i32_0 = arith.constant 0 : i32
    %c0_i32_1 = arith.constant 0 : i32
    return %c0_i32, %c0_i32_0 : i32, i32
  }
  func.func @transform_2(%arg0: i32) -> (i32, i32) {
    %c0_i32 = arith.constant 0 : i32
    %c0_i32_0 = arith.constant 0 : i32
    %c0_i32_1 = arith.constant 0 : i32
    return %c0_i32, %c0_i32_0 : i32, i32
  }
  func.func @transform_3(%arg0: i32) -> (i32, i32) {
    %c0_i32 = arith.constant 0 : i32
    %c0_i32_0 = arith.constant 0 : i32
    %c0_i32_1 = arith.constant 0 : i32
    return %c0_i32, %c0_i32_0 : i32, i32
  }
  func.func @transform_4(%arg0: i32) -> (i32, i32) {
    %c0_i32 = arith.constant 0 : i32
    %c0_i32_0 = arith.constant 0 : i32
    return %arg0, %c0_i32 : i32, i32
  }
  func.func @transform_5(%arg0: i32) -> (i32, i32) {
    %c0_i32 = arith.constant 0 : i32
    %c0_i32_0 = arith.constant 0 : i32
    return %arg0, %c0_i32 : i32, i32
  }
}

module attributes {stable_mosaic.version = 14 : i64} {
  func.func @_post_body(%arg0: i32, %arg1: memref<1000x128xf32, #tpu.memory_space<vmem>>, %arg2: memref<1000x128xf32, #tpu.memory_space<vmem>>, %arg3: memref<1000x128xf32, #tpu.memory_space<vmem>>, %arg4: memref<1000x16xf32, #tpu.memory_space<vmem>>, %arg5: memref<1000x16xf32, #tpu.memory_space<vmem>>, %arg6: memref<128x128xf32, #tpu.memory_space<vmem>>, %arg7: memref<1x128xf32, #tpu.memory_space<vmem>>, %arg8: memref<128x128xf32, #tpu.memory_space<vmem>>, %arg9: memref<128x128xf32, #tpu.memory_space<vmem>>, %arg10: memref<1x128xf32, #tpu.memory_space<vmem>>, %arg11: memref<128x128xf32, #tpu.memory_space<vmem>>, %arg12: memref<1x128xf32, #tpu.memory_space<vmem>>, %arg13: memref<1000x128xf32, #tpu.memory_space<vmem>>) attributes {dimension_semantics = [#tpu.dimension_semantics<arbitrary>], iteration_bounds = array<i64: 10>, scalar_prefetch = 0 : i64, scratch_operands = 0 : i64, tpu.core_type = #tpu.core_type<tc>, window_params = [{transform_indices = @transform_0, window_bounds = array<i64: 1000, 128>}, {transform_indices = @transform_1, window_bounds = array<i64: 1000, 128>}, {transform_indices = @transform_2, window_bounds = array<i64: 1000, 128>}, {transform_indices = @transform_3, window_bounds = array<i64: 1000, 16>}, {transform_indices = @transform_4, window_bounds = array<i64: 1000, 16>}, {pipeline_mode = #tpu.pipeline_mode<synchronous>, transform_indices = @transform_5, window_bounds = array<i64: 128, 128>}, {pipeline_mode = #tpu.pipeline_mode<synchronous>, transform_indices = @transform_6, window_bounds = array<i64: 1, 128>}, {pipeline_mode = #tpu.pipeline_mode<synchronous>, transform_indices = @transform_7, window_bounds = array<i64: 128, 128>}, {pipeline_mode = #tpu.pipeline_mode<synchronous>, transform_indices = @transform_8, window_bounds = array<i64: 128, 128>}, {pipeline_mode = #tpu.pipeline_mode<synchronous>, transform_indices = @transform_9, window_bounds = array<i64: 1, 128>}, {pipeline_mode = #tpu.pipeline_mode<synchronous>, transform_indices = @transform_10, window_bounds = array<i64: 128, 128>}, {pipeline_mode = #tpu.pipeline_mode<synchronous>, transform_indices = @transform_11, window_bounds = array<i64: 1, 128>}, {transform_indices = @transform_12, window_bounds = array<i64: 1000, 128>}]} {
    %get3A = arith.constant 0 : index
    %get3A_0 = arith.constant 0 : index
    %get3A_1 = vector.load %arg2[%get3A, %get3A_0] : memref<1000x128xf32, #tpu.memory_space<vmem>>, vector<1000x128xf32>
    %get3A_2 = arith.constant 0 : index
    %get3A_3 = arith.constant 0 : index
    %get3A_4 = vector.load %arg3[%get3A_2, %get3A_3] : memref<1000x128xf32, #tpu.memory_space<vmem>>, vector<1000x128xf32>
    %add3A = arith.addf %get3A_1, %get3A_4 : vector<1000x128xf32>
    %get3A_5 = arith.constant 0 : index
    %get3A_6 = arith.constant 0 : index
    %get3A_7 = vector.load %arg4[%get3A_5, %get3A_6] : memref<1000x16xf32, #tpu.memory_space<vmem>>, vector<1000x1xf32>
    %get3A_8 = arith.constant 0 : index
    %get3A_9 = arith.constant 0 : index
    %get3A_10 = vector.load %arg5[%get3A_8, %get3A_9] : memref<1000x16xf32, #tpu.memory_space<vmem>>, vector<1000x1xf32>
    %add3A_11 = arith.addf %get3A_7, %get3A_10 : vector<1000x1xf32>
    %get3A_12 = arith.constant 0 : index
    %get3A_13 = arith.constant 0 : index
    %get3A_14 = vector.load %arg6[%get3A_12, %get3A_13] : memref<128x128xf32, #tpu.memory_space<vmem>>, vector<128x128xf32>
    %dot_general3A = arith.constant dense<0.000000e+00> : vector<1000x128xf32>
    %dot_general3A_15 = tpu.matmul %add3A, %get3A_14, %dot_general3A {dimension_numbers = #tpu.dot_dimension_numbers<[1], [0], [0], [1], [0, 0, 1, 1], [], []>, transpose_lhs_hint = false} : vector<1000x128xf32>, vector<128x128xf32>, vector<1000x128xf32> -> vector<1000x128xf32>
    %get3A_16 = arith.constant 0 : index
    %get3A_17 = arith.constant 0 : index
    %get3A_18 = vector.load %arg7[%get3A_16, %get3A_17] : memref<1x128xf32, #tpu.memory_space<vmem>>, vector<1x128xf32>
    %mul3A = vector.broadcast %add3A_11 : vector<1000x1xf32> to vector<1000x128xf32>
    %mul3A_19 = vector.broadcast %get3A_18 : vector<1x128xf32> to vector<1000x128xf32>
    %mul3A_20 = arith.mulf %mul3A, %mul3A_19 : vector<1000x128xf32>
    %add3A_21 = arith.addf %dot_general3A_15, %mul3A_20 : vector<1000x128xf32>
    %get3A_22 = arith.constant 0 : index
    %get3A_23 = arith.constant 0 : index
    %get3A_24 = vector.load %arg1[%get3A_22, %get3A_23] : memref<1000x128xf32, #tpu.memory_space<vmem>>, vector<1000x128xf32>
    %get3A_25 = arith.constant 0 : index
    %get3A_26 = arith.constant 0 : index
    %get3A_27 = vector.load %arg8[%get3A_25, %get3A_26] : memref<128x128xf32, #tpu.memory_space<vmem>>, vector<128x128xf32>
    %dot_general3A_28 = arith.constant dense<0.000000e+00> : vector<1000x128xf32>
    %dot_general3A_29 = tpu.matmul %get3A_24, %get3A_27, %dot_general3A_28 {dimension_numbers = #tpu.dot_dimension_numbers<[1], [0], [0], [1], [0, 0, 1, 1], [], []>, transpose_lhs_hint = false} : vector<1000x128xf32>, vector<128x128xf32>, vector<1000x128xf32> -> vector<1000x128xf32>
    %get3A_30 = arith.constant 0 : index
    %get3A_31 = arith.constant 0 : index
    %get3A_32 = vector.load %arg9[%get3A_30, %get3A_31] : memref<128x128xf32, #tpu.memory_space<vmem>>, vector<128x128xf32>
    %dot_general3A_33 = arith.constant dense<0.000000e+00> : vector<1000x128xf32>
    %dot_general3A_34 = tpu.matmul %add3A_21, %get3A_32, %dot_general3A_33 {dimension_numbers = #tpu.dot_dimension_numbers<[1], [0], [0], [1], [0, 0, 1, 1], [], []>, transpose_lhs_hint = false} : vector<1000x128xf32>, vector<128x128xf32>, vector<1000x128xf32> -> vector<1000x128xf32>
    %add3A_35 = arith.addf %dot_general3A_29, %dot_general3A_34 : vector<1000x128xf32>
    %get3A_36 = arith.constant 0 : index
    %get3A_37 = arith.constant 0 : index
    %get3A_38 = vector.load %arg10[%get3A_36, %get3A_37] : memref<1x128xf32, #tpu.memory_space<vmem>>, vector<1x128xf32>
    %add3A_39 = vector.broadcast %get3A_38 : vector<1x128xf32> to vector<1000x128xf32>
    %add3A_40 = arith.addf %add3A_35, %add3A_39 : vector<1000x128xf32>
    %max3A = arith.constant 0.000000e+00 : f32
    %max3A_41 = vector.broadcast %max3A : f32 to vector<1000x128xf32>
    %max3A_42 = arith.maximumf %add3A_40, %max3A_41 : vector<1000x128xf32>
    %get3A_43 = arith.constant 0 : index
    %get3A_44 = arith.constant 0 : index
    %get3A_45 = vector.load %arg11[%get3A_43, %get3A_44] : memref<128x128xf32, #tpu.memory_space<vmem>>, vector<128x128xf32>
    %dot_general3A_46 = arith.constant dense<0.000000e+00> : vector<1000x128xf32>
    %dot_general3A_47 = tpu.matmul %max3A_42, %get3A_45, %dot_general3A_46 {dimension_numbers = #tpu.dot_dimension_numbers<[1], [0], [0], [1], [0, 0, 1, 1], [], []>, transpose_lhs_hint = false} : vector<1000x128xf32>, vector<128x128xf32>, vector<1000x128xf32> -> vector<1000x128xf32>
    %add3A_48 = arith.addf %get3A_24, %dot_general3A_47 : vector<1000x128xf32>
    %get3A_49 = arith.constant 0 : index
    %get3A_50 = arith.constant 0 : index
    %get3A_51 = vector.load %arg12[%get3A_49, %get3A_50] : memref<1x128xf32, #tpu.memory_space<vmem>>, vector<1x128xf32>
    %add3A_52 = vector.broadcast %get3A_51 : vector<1x128xf32> to vector<1000x128xf32>
    %add3A_53 = arith.addf %add3A_48, %add3A_52 : vector<1000x128xf32>
    %swap3A = arith.constant 0 : index
    %swap3A_54 = arith.constant 0 : index
    %swap3A_55 = vector.load %arg13[%swap3A, %swap3A_54] : memref<1000x128xf32, #tpu.memory_space<vmem>>, vector<1000x128xf32>
    tpu.vector_store %arg13[%swap3A, %swap3A_54], %add3A_53 {strides = array<i32>} : memref<1000x128xf32, #tpu.memory_space<vmem>>, vector<1000x128xf32>,
    return
  }
  func.func @transform_0(%arg0: i32) -> (i32, i32) {
    %c0_i32 = arith.constant 0 : i32
    %c0_i32_0 = arith.constant 0 : i32
    return %arg0, %c0_i32 : i32, i32
  }
  func.func @transform_1(%arg0: i32) -> (i32, i32) {
    %c0_i32 = arith.constant 0 : i32
    %c0_i32_0 = arith.constant 0 : i32
    return %arg0, %c0_i32 : i32, i32
  }
  func.func @transform_2(%arg0: i32) -> (i32, i32) {
    %c0_i32 = arith.constant 0 : i32
    %c0_i32_0 = arith.constant 0 : i32
    return %arg0, %c0_i32 : i32, i32
  }
  func.func @transform_3(%arg0: i32) -> (i32, i32) {
    %c0_i32 = arith.constant 0 : i32
    %c0_i32_0 = arith.constant 0 : i32
    return %arg0, %c0_i32 : i32, i32
  }
  func.func @transform_4(%arg0: i32) -> (i32, i32) {
    %c0_i32 = arith.constant 0 : i32
    %c0_i32_0 = arith.constant 0 : i32
    return %arg0, %c0_i32 : i32, i32
  }
  func.func @transform_5(%arg0: i32) -> (i32, i32) {
    %c0_i32 = arith.constant 0 : i32
    %c0_i32_0 = arith.constant 0 : i32
    %c0_i32_1 = arith.constant 0 : i32
    return %c0_i32, %c0_i32_0 : i32, i32
  }
  func.func @transform_6(%arg0: i32) -> (i32, i32) {
    %c0_i32 = arith.constant 0 : i32
    %c0_i32_0 = arith.constant 0 : i32
    %c0_i32_1 = arith.constant 0 : i32
    return %c0_i32, %c0_i32_0 : i32, i32
  }
  func.func @transform_7(%arg0: i32) -> (i32, i32) {
    %c0_i32 = arith.constant 0 : i32
    %c0_i32_0 = arith.constant 0 : i32
    %c0_i32_1 = arith.constant 0 : i32
    return %c0_i32, %c0_i32_0 : i32, i32
  }
  func.func @transform_8(%arg0: i32) -> (i32, i32) {
    %c0_i32 = arith.constant 0 : i32
    %c0_i32_0 = arith.constant 0 : i32
    %c0_i32_1 = arith.constant 0 : i32
    return %c0_i32, %c0_i32_0 : i32, i32
  }
  func.func @transform_9(%arg0: i32) -> (i32, i32) {
    %c0_i32 = arith.constant 0 : i32
    %c0_i32_0 = arith.constant 0 : i32
    %c0_i32_1 = arith.constant 0 : i32
    return %c0_i32, %c0_i32_0 : i32, i32
  }
  func.func @transform_10(%arg0: i32) -> (i32, i32) {
    %c0_i32 = arith.constant 0 : i32
    %c0_i32_0 = arith.constant 0 : i32
    %c0_i32_1 = arith.constant 0 : i32
    return %c0_i32, %c0_i32_0 : i32, i32
  }
  func.func @transform_11(%arg0: i32) -> (i32, i32) {
    %c0_i32 = arith.constant 0 : i32
    %c0_i32_0 = arith.constant 0 : i32
    %c0_i32_1 = arith.constant 0 : i32
    return %c0_i32, %c0_i32_0 : i32, i32
  }
  func.func @transform_12(%arg0: i32) -> (i32, i32) {
    %c0_i32 = arith.constant 0 : i32
    %c0_i32_0 = arith.constant 0 : i32
    return %arg0, %c0_i32 : i32, i32
  }
}

</mosaic_0001>

<sc_bundles>
// kernel: kernel.5.cloned.1.call-start
scs
__scs_entry_jumppad:
0x0: {  	(pc) =	sbr.rel $0x88, $3  }
0x1: {  	(tag) =	ssettag $0x0;
	lr =	simm.s32 $0x1  }
0x2: {  	[smem:$0x3F96] =	sst lr;
	_ =	strace $0xD0000000  }
0x3: {  	_ = 	snop  }
0x4: {  	_ = 	snop  }
0x5: {  	_ = 	snop  }
0x6: {  	_ = 	snop  }
0x7: {  	_ = 	snop  }
__scs_overlays_trampoline_lowered:
0x8: {  	[smem:$0x3FA5] =	sst s0  }
0x9: {  	[smem:$0x3FA6] =	sst s1  }
0xa: {  	[smem:$0x3FA7] =	sst s2  }
0xb: {  	[smem:$0x3FA8] =	sst s3  }
0xc: {  	[smem:$0x3FA9] =	sst s4  }
0xd: {  	[smem:$0x3FAA] =	sst s5  }
0xe: {  	[smem:$0x3FAB] =	sst s6  }
0xf: {  	[smem:$0x3FAC] =	sst s7  }
0x10: {  	[smem:$0x3FAD] =	sst s8  }
0x11: {  	[smem:$0x3FAE] =	sst s9;
	s0 =	simm.s32 @!p0 $0x0  }
0x12: {  	s1 =	sld [smem:$0x3F94];
	s0 =	simm.s32 @p0 $0x1  }
0x13: {  	[smem:$0x3FAF] =	sst s0;
	s0 =	simm.s32 @!p1 $0x0  }
0x14: {  	s2 =	sld [smem:$0x3F93];
	s0 =	simm.s32 @p1 $0x1  }
0x15: {  	[smem:$0x3FB0] =	sst s0;
	s0 =	simm.s32 @!p2 $0x0  }
0x16: {  	s3 =	sld [smem:$0x3FDB];
	s0 =	simm.s32 @p2 $0x1  }
0x17: {  	s4 =	simm.s32 $0x1BF5;
	[smem:$0x3FB2] =	sst s0  }
0x18: {  	s0 =	sld [smem:$0x3F95];
	_ =	swait.ge [sflag:s4], $0x0  }
0x19: {  	s7 =	sld [smem:$0x3F96]  }
0x1a: {  	s8 =	sadd.s32 $0xFFFFE003, lr  }
0x1b: {  	s9 =	sadd.s32 $0xFFFFFEF7, lr;
	s5 =	simm.s32 $0xFFFFFFFF;
	p2 =	slt.u32 s8, $0xFFFFF086  }
0x1c: {  	p1 =	slt.u32 s9, $0xF7A;
	s5 =	simm.s32 @!p2 $0x0  }
0x1d: {  	s5 =	simm.s32 @p1 $0x1;
	p0 =	seq.s32 s7, s2  }
0x1e: {  	s7 =	smul.u32 @!p0 $0xF7A, s2;
	p2 =	seq.s32 @!p0 s5, $0x0  }
0x1f: {  	s9 =	smul.u32 $0xF7A, s1;
	s8 =	simm.s32 @!p0 $0x1BF5;
	p2 =	por !p2, p0  }
0x20: {  	[sflag:s8] =	ssyncset.s32 @!p0 $0xFFFFF086;
	s6 =	sadd.s32 @!p0 s3, s7;
	s7 =	simm.s32 @!p0 $0x108  }
0x21: {  	s3 =	sadd.s32 s3, s9;
	s6 =	sadd.s32 @!p0 $0x88, s6;
	s7 =	simm.s32 @p2 $0x1082  }
0x22: {  	[simem:s7], [sflag:s8] =	dma.local @!p0 [hbm:s6], $0xF7A  }
0x23: {  	s9 =	sor.u32 $0xD0000000, s2;
	s6 =	simm.s32 $0x108;
	_ =	swait.ge @!p0 [sflag:s8], $0x0  }
0x24: {  	s3 =	sadd.s32 $0x88, s3;
	s6 =	simm.s32 @!p1 $0x1082;
	[sflag:s4] =	ssyncset.s32 $0xFFFFF086  }
0x25: {  	[simem:s6], [sflag:s4] =	dma.local [hbm:s3], $0xF7A  }
0x26: {  	[smem:$0x3F96] =	sst s1;
	(tag) =	ssettag s2;
	_ =	strace s9  }
0x27: {  	s1 =	sld [smem:$0x3FA6]  }
0x28: {  	s2 =	sld [smem:$0x3FA7]  }
0x29: {  	s4 =	sld [smem:$0x3FA9]  }
0x2a: {  	p0 =	seq.s32 s5, $0x0;
	s5 =	sld [smem:$0x3FAA]  }
0x2b: {  	s6 =	sld [smem:$0x3FAB]  }
0x2c: {  	s7 =	sld [smem:$0x3FAC]  }
0x2d: {  	s3 =	simm.s32 $0x108;
	s8 =	sld [smem:$0x3FAD]  }
0x2e: {  	s3 =	simm.s32 @!p0 $0x1082;
	s9 =	sld [smem:$0x3FAE]  }
0x2f: {  	lr =	sadd.s32 s0, s3;
	s0 =	sld [smem:$0x3FA5]  }
0x30: {  	s3 =	sld [smem:$0x3FA8]  }
0x31: {  	[smem:$0x3FB1] =	sst s10  }
0x32: {  	s10 =	sld [smem:$0x3FAF];
	_ =	sdelay $0x3  }
0x33: {  	p0 =	seq.s32 s10, $0x1;
	s10 =	sld [smem:$0x3FB1];
	_ =	sdelay $0x3  }
0x34: {  	[smem:$0x3FB1] =	sst s10  }
0x35: {  	s10 =	sld [smem:$0x3FB0];
	_ =	sdelay $0x3  }
0x36: {  	p1 =	seq.s32 s10, $0x1;
	s10 =	sld [smem:$0x3FB1];
	_ =	sdelay $0x3  }
0x37: {  	[smem:$0x3FB1] =	sst s10  }
0x38: {  	s10 =	sld [smem:$0x3FB2]  }
0x39: {  	_ = 	snop;
	(pc) =	sbr.ind lr, $3  }
0x3a: {  	_ = 	snop  }
0x3b: {  	_ = 	snop  }
0x3c: {  	p2 =	seq.s32 s10, $0x1;
	s10 =	sld [smem:$0x3FB1]  }
0x3d: {  	_ =	shalt  }
0x3e: {  	_ =	shalt  }
0x3f: {  	_ =	shalt  }
0x40: {  	_ =	shalt  }
0x41: {  	_ =	shalt  }
0x42: {  	_ =	shalt  }
0x43: {  	_ =	shalt  }
0x44: {  	_ =	shalt  }
0x45: {  	_ =	shalt  }
0x46: {  	_ =	shalt  }
0x47: {  	_ =	shalt  }
0x48: {  	_ =	shalt  }
0x49: {  	_ =	shalt  }
0x4a: {  	_ =	shalt  }
0x4b: {  	_ =	shalt  }
0x4c: {  	_ =	shalt  }
0x4d: {  	_ =	shalt  }
0x4e: {  	_ =	shalt  }
0x4f: {  	_ =	shalt  }
0x50: {  	_ =	shalt  }
0x51: {  	_ =	shalt  }
0x52: {  	_ =	shalt  }
0x53: {  	_ =	shalt  }
0x54: {  	_ =	shalt  }
0x55: {  	_ =	shalt  }
0x56: {  	_ =	shalt  }
0x57: {  	_ =	shalt  }
0x58: {  	_ =	shalt  }
0x59: {  	_ =	shalt  }
0x5a: {  	_ =	shalt  }
0x5b: {  	_ =	shalt  }
0x5c: {  	_ =	shalt  }
0x5d: {  	_ =	shalt  }
0x5e: {  	_ =	shalt  }
0x5f: {  	_ =	shalt  }
0x60: {  	_ =	shalt  }
0x61: {  	_ =	shalt  }
0x62: {  	_ =	shalt  }
0x63: {  	_ =	shalt  }
0x64: {  	_ =	shalt  }
0x65: {  	_ =	shalt  }
0x66: {  	_ =	shalt  }
0x67: {  	_ =	shalt  }
0x68: {  	_ =	shalt  }
0x69: {  	_ =	shalt  }
0x6a: {  	_ =	shalt  }
0x6b: {  	_ =	shalt  }
0x6c: {  	_ =	shalt  }
0x6d: {  	_ =	shalt  }
0x6e: {  	_ =	shalt  }
0x6f: {  	_ =	shalt  }
0x70: {  	_ =	shalt  }
0x71: {  	_ =	shalt  }
0x72: {  	_ =	shalt  }
0x73: {  	_ =	shalt  }
0x74: {  	_ =	shalt  }
0x75: {  	_ =	shalt  }
0x76: {  	_ =	shalt  }
0x77: {  	_ =	shalt  }
0x78: {  	_ =	shalt  }
0x79: {  	_ =	shalt  }
0x7a: {  	_ =	shalt  }
0x7b: {  	_ =	shalt  }
0x7c: {  	_ =	shalt  }
0x7d: {  	_ =	shalt  }
0x7e: {  	_ =	shalt  }
0x7f: {  	_ =	shalt  }
0x80: {  	_ =	shalt  }
0x81: {  	_ =	shalt  }
0x82: {  	_ =	shalt  }
0x83: {  	_ =	shalt  }
0x84: {  	_ =	shalt  }
0x85: {  	_ =	shalt  }
0x86: {  	_ =	shalt  }
0x87: {  	_ =	shalt  }
.Lfunc_end0:
.L_simem_size_0:
called_computation_lowered:
.L_overlay_start_0:
0x88: {  	s2 =	sld [smem:$0x3FD9]  }
0x89: {  	s3 =	sld [smem:$0x3FFE];
	_ =	sdelay $0x1  }
0x8a: {  	s1 =	srdreg.scid  }
0x8b: {  	s0 =	sand.u32 $0x1, s1  }
0x8c: {  	s17 =	sshll.u32 s0, $0xA;
	s2 =	sadd.s32 s3, s2  }
0x8d: {  	s2 =	sadd.s32 s2, s17  }
0x8e: {  	[smem:$0x3FBD] =	sst s2  }
0x8f: {  	_ = 	snop  }
0x90: {  	s2 =	sld [smem:$0x3FD0];
	(tm) =	ssettm $0x1  }
0x91: {  	s18 =	sld [smem:$0x3FFB];
	_ =	sdelay $0x3  }
0x92: {  	_ =	strace s18  }
0x93: {  	s3 =	sld [smem:$0x3FFC];
	_ =	sdelay $0x3  }
0x94: {  	_ =	strace s3  }
0x95: {  	s3 =	sld [smem:$0x3FFD];
	_ =	sdelay $0x3  }
0x96: {  	_ =	strace s3  }
0x97: {  	_ =	strace $0x8FFFFFFF  }
0x98: {  	s19 =	sld [smem:$0x3FDB];
	_ =	sdelay $0x1  }
0x99: {  	s4 =	simm.s32 $_scs_section_size  }
0x9a: {  	s5 =	simm.s32 $_size__tile_overlayer_lowered;
	s6 =	simm.s32 $_tile_overlayer_lowered  }
0x9b: {  	s22 =	simm.s32 $0x1BFF;
	s21 =	sshll.u32 s6, $0x1;
	s3 =	sadd.s32 s4, s19  }
0x9c: {  	s7 =	simm.s32 $0x0;
	s20 =	sshll.u32 s5, $0x1;
	s5 =	sadd.s32 s21, s3  }
0x9d: {  	[timem:s7], [sflag:s22] =	dma.local [hbm:s5], s20  }
0x9e: {  	_ =	swait.ge [sflag:s22], s20  }
0x9f: {  	s4 =	ssub.s32 $0x0, s20;
	[sflag:s22] =	ssyncset.done $0x0  }
0xa0: {  	[sflag:s22] =	ssyncadd.s32 s4;
	_ =	sdelay $0x1  }
0xa1: {  	s23 =	simm.s32 $0x1B8B  }
0xa2: {  	_ =	swait.ge [sflag:s23], $0x1  }
0xa3: {  	[sflag:s23] =	ssyncset.done $0x0  }
0xa4: {  	s25 =	simm.s32 $0x1B8E;
	s24 =	sld [smem:$0x3FFE];
	[sflag:s23] =	ssyncadd.s32 $0xFFFFFFFF  }
0xa5: {  	s26 =	simm.s32 $execute0_lowered;
	[smem:$0x3FD2] =	sst s25  }
0xa6: {  	s5 =	sshll.u32 s26, $0x1;
	_ =	strace $0x80000046;
	[dreg:$0x1] =	wrdreg $0xFFFFFFFF  }
0xa7: {  	s28 =	simm.s32 $_size_execute0_lowered;
	s3 =	sadd.s32 s3, s5;
	[dreg:$0x0] =	wrdreg $0x0  }
0xa8: {  	s5 =	sshll.u32 s28, $0x1;
	[dreg:$0x2] =	wrdreg s3  }
0xa9: {  	[dreg:$0x3] =	wrdreg s5  }
0xaa: {  	[dreg:$0x4] =	wrdreg $0xC0  }
0xab: {  	_ =	task [dreg:s7], $0x5FFFF  }
0xac: {  	[dreg:$0x1] =	wrdreg $0xFFFFFFFF  }
0xad: {  	[dreg:$0x0] =	wrdreg $0x60  }
0xae: {  	[dreg:$0x2] =	wrdreg s2  }
0xaf: {  	[dreg:$0x3] =	wrdreg s24  }
0xb0: {  	[dreg:$0x4] =	wrdreg $0x8A000  }
0xb1: {  	[dreg:$0x5] =	wrdreg $0x1C2800  }
0xb2: {  	[dreg:$0x6] =	wrdreg $0x9  }
0xb3: {  	_ =	task.clear_ibuf [dreg:s7], $0x7FFFF;
	_ =	strace $0x90000046  }
0xb4: {  	s29 =	simm.s32 $0x9;
	_ =	strace $0x80000048  }
0xb5: {  	_ =	swait.ge [sflag:s29], $0x1  }
0xb6: {  	[sflag:s29] =	ssyncadd.s32 $0xFFFFFFFF  }
0xb7: {  	_ =	strace $0x90000048  }
0xb8: {  	_ =	sfence  }
0xb9: {  	s30 =	sld [smem:$0x0];
	_ =	sdelay $0x2  }
0xba: {  	s31 =	sshll.u32 s1, $0xD;
	s1 =	sshrl.u32 s1, $0x2  }
0xbb: {  	s3 =	sand.u32 $0x4000, s31;
	s1 =	sadd.s32 s1, s30  }
0xbc: {  	s0 =	sor.u32 s3, s0;
	s1 =	sshll.u32 s1, $0x11  }
0xbd: {  	s0 =	sor.u32 s1, s0  }
0xbe: {  	s0 =	sadd.s32 $0x8F2B, s0  }
0xbf: {  	[sflag:s0] =	ssyncadd.remote.s32 $0x1  }
0xc0: {  	_ =	sfence.sel $0xFFFF  }
0xc1: {  	[dreg:$0x0] =	wrdreg $0xFFFFFFFF;
	(pc) =	sbr.abs _section_cstart, $3  }
0xc2: {  	[dreg:$0x1] =	wrdreg $0xFFFFFFFF  }
0xc3: {  	_ =	task.clear_ibuf [dreg:s7], $0x2FFFF;
	_ =	strace $0x9FFFFFFF  }
0xc4: {  	(tm) =	ssettm $0x7FFFFFFF  }
0xc5: {  	_ =	shalt  }
tec
execute0_lowered:
.L_overlay_start_1:
0x0: {  	(tag) =	ssettag $0x1  }
0x1: {  	s1 =	rddreg [dreg:$0x0]  }
0x2: {  	s0 =	rddreg [dreg:$0x1]  }
0x3: {  	s2 =	rddreg [dreg:$0x2]  }
0x4: {  	s4 =	rddreg [dreg:$0x3]  }
0x5: {  	s5 =	simm.s32 $0x0;
	s3 =	srdreg.scid;
	s17 =	stileid.u32  }
0x6: {  	s28 =	simm.s32 $0x3;
	s29 =	simm.s32 $0x8180;
	s31 =	simm.s32 $0x80  }
0x7: {  	s30 =	simm.s32 $0x4180;
	[smem:$0x7FF] =	sst s5;
	s10 =	smul.u32 $0x13880, s17  }
0x8: {  	s3 =	sand.u32 $0x1, s3;
	s6 =	sadd.s32 $0x1F800, s0;
	s12 =	smul.u32 $0x2710, s17  }
0x9: {  	s7 =	sadd.s32 $0xBC00, s0;
	s8 =	sadd.s32 $0x1E00, s0;
	s15 =	smul.u32 $0x271, s17  }
0xa: {  	s14 =	sadd.s32 $0x1C00, s0;
	p0 =	slt.u32 s17, $0x2;
	s9 =	smul.u32 $0x138800, s3  }
0xb: {  	_ =	strace $0x80000047;
	s13 =	smul.u32 $0x27100, s3;
	s22 =	ssub.s32 $0x2, s3  }
0xc: {  	[dreg:$0x5] =	wrdreg s14;
	s3 =	sshll.u32 s3, $0x7;
	s24 =	sshrl.u32 s22, $0x1  }
0xd: {  	s25 =	sadd.s32 $0x7D, s15;
	s18 =	sadd.s32 $0xFA, s15;
	s21 =	sadd.s32 $0x177, s15  }
0xe: {  	s15 =	sadd.s32 $0x1F4, s15;
	s11 =	sadd.s32 s10, s9;
	s9 =	sadd.s32 $0x15A00, s0  }
0xf: {  	s13 =	sadd.s32 s12, s13;
	s12 =	sadd.s32 s12, s4;
	s26 =	sshll.u32 s25, $0x7  }
0x10: {  	s14 =	sshll.u32 s25, $0x4;
	s19 =	sshll.u32 s18, $0x7;
	s25 =	sshll.u32 s17, $0x8  }
0x11: {  	s11 =	sshrl.u32 s11, $0x3;
	s23 =	sshrl.u32 s13, $0x3;
	s13 =	ssub.s32 s22, s24  }
0x12: {  	s22 =	sshll.u32 s21, $0x7;
	s24 =	sshll.u32 s15, $0x4;
	s16 =	sadd.s32 s11, s0  }
0x13: {  	s0 =	sadd.s32 s23, s0;
	s11 =	sadd.s32 s10, s2;
	s10 =	sadd.s32 s26, s2  }
0x14: {  	s23 =	sshll.u32 s15, $0x7;
	[dreg:$0x6] =	wrdreg s10;
	s10 =	sadd.s32 s14, s4  }
0x15: {  	s14 =	sshll.u32 s18, $0x4;
	s26 =	sadd.s32 s23, s2;
	s23 =	sadd.s32 $0x46A00, s16  }
0x16: {  	[dreg:$0x7] =	wrdreg s10;
	s10 =	sadd.s32 s19, s2;
	s20 =	sadd.s32 s14, s4  }
0x17: {  	s14 =	sadd.s32 s22, s2;
	s19 =	sor.u32 s3, s25;
	[dreg:$0xc] =	wrdreg s26  }
0x18: {  	s22 =	sadd.s32 s24, s4;
	s24 =	sadd.s32 $0x94C00, s0;
	s25 =	smax.u32 s13, $0x1  }
0x19: {  	s26 =	simm.s32 $0x180;
	s0 =	simm.s32 $0x100;
	[dreg:$0x8] =	wrdreg s10  }
0x1a: {  	s3 =	simm.s32 $0x1;
	[dreg:$0x9] =	wrdreg s20;
	s10 =	sshll.u32 s21, $0x4  }
0x1b: {  	v0 =	vimm.f32 $0.0e+00;
	vm0 =	vcmask $0x300;
	[dreg:$0xa] =	wrdreg s14;
	s20 =	simm.s32 $0x4F;
	s10 =	sadd.s32 s10, s4  }
0x1c: {  	v1 =	vsel vm0, $0x3F800000, v0;
	s20 =	simm.s32 @!p0 $0x4E;
	[dreg:$0xb] =	wrdreg s10;
	s10 =	simm.s32 $0x2  }
.LBB2_1:
0x1d: {  	s13 =	simm.s32 $0x1C0  }
0x1e: {  	[tilespmem:s13+$0xFFFFFFD0] =	vst v0  }
0x1f: {  	[tilespmem:s13+$0xFFFFFFE0] =	vst v0  }
0x20: {  	[tilespmem:s13+$0xFFFFFFF0] =	vst v0  }
0x21: {  	[tilespmem:s13+$0x0] =	vst v0  }
0x22: {  	[tilespmem:s13+$0x10] =	vst v0  }
0x23: {  	[tilespmem:s13+$0x20] =	vst v0  }
0x24: {  	[tilespmem:s13+$0x30] =	vst v0  }
0x25: {  	s15 =	simm.s32 $0x0;
	s14 =	simm.s32 $0x40;
	[tilespmem:s13+$0xFFFFFFC0] =	vst v0  }
.LBB2_2:
0x26: {  	p0 =	sne.s32 s14, $0x1FC0;
	[tilespmem:s15+$0x8180] =	vst v0;
	s13 =	sadd.s32 $0x80, s13  }
0x27: {  	[tilespmem:s13+$0xFFFFFFD0] =	vst v0  }
0x28: {  	[tilespmem:s13+$0xFFFFFFE0] =	vst v0  }
0x29: {  	[tilespmem:s13+$0xFFFFFFF0] =	vst v0  }
.Ltmp0:
0x2a: {  	[tilespmem:s13+$0x0] =	vst v0;
	(pc) =	sbr.rel @p0 .LBB2_2-.Ltmp0, $4  }
0x2b: {  	[tilespmem:s13+$0x10] =	vst v0  }
0x2c: {  	[tilespmem:s13+$0x20] =	vst v0  }
0x2d: {  	[tilespmem:s13+$0x30] =	vst v0  }
0x2e: {  	s15 =	sshra.s32 s14, $0x2;
	s14 =	sadd.s32 $0x40, s14;
	[tilespmem:s13+$0xFFFFFFC0] =	vst v0  }
0x2f: {  	[tilespmem:s15+$0x8180] =	vst v0  }
0x30: {  	[spmem:s11] =	stream.linear.scatter [tilespmem:s26], [sflag:$0x3], $0x3E80, $0x38;
	[tilespmem:$0x1E990] =	vst v63  }
0x31: {  	_ =	swait.ge [sflag:s28], $0x3E80  }
0x32: {  	[sflag:s28] =	ssyncset.done $0x0  }
0x33: {  	[sflag:s28] =	ssyncadd.s32 $0xFFFFC180  }
0x34: {  	[spmem:s12] =	stream.linear.scatter [tilespmem:s29], [sflag:$0x3], $0x7D0, $0x38;
	[tilespmem:$0x1E990] =	vst v63  }
0x35: {  	_ =	swait.ge [sflag:s28], $0x7D0  }
0x36: {  	[sflag:s28] =	ssyncset.done $0x0  }
0x37: {  	s13 =	rddreg [dreg:$0x6];
	[sflag:s28] =	ssyncadd.s32 $0xFFFFF830  }
0x38: {  	[spmem:s13] =	stream.linear.scatter [tilespmem:s26], [sflag:$0x3], $0x3E80, $0x38;
	[tilespmem:$0x1E990] =	vst v63  }
0x39: {  	_ =	swait.ge [sflag:s28], $0x3E80  }
0x3a: {  	[sflag:s28] =	ssyncset.done $0x0  }
0x3b: {  	s14 =	rddreg [dreg:$0x7];
	[sflag:s28] =	ssyncadd.s32 $0xFFFFC180  }
0x3c: {  	[spmem:s14] =	stream.linear.scatter [tilespmem:s29], [sflag:$0x3], $0x7D0, $0x38;
	[tilespmem:$0x1E990] =	vst v63  }
0x3d: {  	_ =	swait.ge [sflag:s28], $0x7D0  }
0x3e: {  	[sflag:s28] =	ssyncset.done $0x0  }
0x3f: {  	s15 =	rddreg [dreg:$0x8];
	[sflag:s28] =	ssyncadd.s32 $0xFFFFF830  }
0x40: {  	[spmem:s15] =	stream.linear.scatter [tilespmem:s26], [sflag:$0x3], $0x3E80, $0x38;
	[tilespmem:$0x1E990] =	vst v63  }
0x41: {  	_ =	swait.ge [sflag:s28], $0x3E80  }
0x42: {  	[sflag:s28] =	ssyncset.done $0x0  }
0x43: {  	s16 =	rddreg [dreg:$0x9];
	[sflag:s28] =	ssyncadd.s32 $0xFFFFC180  }
0x44: {  	[spmem:s16] =	stream.linear.scatter [tilespmem:s29], [sflag:$0x3], $0x7D0, $0x38;
	[tilespmem:$0x1E990] =	vst v63  }
0x45: {  	_ =	swait.ge [sflag:s28], $0x7D0  }
0x46: {  	[sflag:s28] =	ssyncset.done $0x0  }
0x47: {  	s17 =	rddreg [dreg:$0xa];
	[sflag:s28] =	ssyncadd.s32 $0xFFFFF830  }
0x48: {  	[spmem:s17] =	stream.linear.scatter [tilespmem:s26], [sflag:$0x3], $0x3E80, $0x38;
	[tilespmem:$0x1E990] =	vst v63  }
0x49: {  	_ =	swait.ge [sflag:s28], $0x3E80  }
0x4a: {  	[sflag:s28] =	ssyncset.done $0x0  }
0x4b: {  	s18 =	rddreg [dreg:$0xb];
	[sflag:s28] =	ssyncadd.s32 $0xFFFFC180  }
0x4c: {  	[spmem:s18] =	stream.linear.scatter [tilespmem:s29], [sflag:$0x3], $0x7D0, $0x38;
	[tilespmem:$0x1E990] =	vst v63  }
0x4d: {  	_ =	swait.ge [sflag:s28], $0x7D0  }
0x4e: {  	[sflag:s28] =	ssyncset.done $0x0  }
0x4f: {  	s21 =	rddreg [dreg:$0xc];
	[sflag:s28] =	ssyncadd.s32 $0xFFFFF830  }
0x50: {  	[spmem:s21] =	stream.linear.scatter [tilespmem:s26], [sflag:$0x3], $0x3E80, $0x38;
	[tilespmem:$0x1E990] =	vst v63  }
0x51: {  	_ =	swait.ge [sflag:s28], $0x3E80  }
0x52: {  	[sflag:s28] =	ssyncset.done $0x0  }
0x53: {  	[sflag:s28] =	ssyncadd.s32 $0xFFFFC180  }
0x54: {  	[spmem:s22] =	stream.linear.scatter [tilespmem:s29], [sflag:$0x3], $0x7D0, $0x38;
	[tilespmem:$0x1E990] =	vst v63  }
0x55: {  	_ =	swait.ge [sflag:s28], $0x7D0  }
0x56: {  	[sflag:s28] =	ssyncset.done $0x0  }
0x57: {  	[sflag:s28] =	ssyncadd.s32 $0xFFFFF830  }
0x58: {  	s13 =	simm.s32 $0x40;
	s14 =	simm.s32 $0x0;
	[bflag:$0x0] =	sbarrier.arrive $0xFFFF  }
.LBB2_4:
0x59: {  	p0 =	sne.s32 s13, $0x1FC0;
	[tilespmem:s14+$0x8180] =	vst v1;
	s14 =	smov.u32 s13;
	s13 =	sadd.s32 $0x40, s13  }
.Ltmp1:
0x5a: {  	(pc) =	sbr.rel @p0 .LBB2_4-.Ltmp1, $2  }
0x5b: {  	_ =	sdelay $0x2  }
0x5c: {  	s14 =	sshra.s32 s14, $0x2  }
0x5d: {  	[tilespmem:s14+$0x8180] =	vst v1;
	s13 =	simm.s32 $0x0;
	s21 =	rddreg [dreg:$0x5];
	s15 =	simm.s32 $0x8980  }
0x5e: {  	[tilespmem:s15], [sflag:$0x3] =	stream.linear.gather [hbm4b:s21+s13], $0x80, $0x38;
	[tilespmem:$0x1E990] =	vst v63  }
0x5f: {  	_ =	swait.ge [sflag:s28], $0x80  }
0x60: {  	[sflag:s28] =	ssyncset.done $0x0  }
0x61: {  	[sflag:s28] =	ssyncadd.s32 $0xFFFFFF80  }
0x62: {  	v2 =	vld [tilespmem:$0x8980]  }
0x63: {  	v3 =	vld [tilespmem:$0x8990]  }
0x64: {  	v4 =	vld [tilespmem:$0x89A0]  }
0x65: {  	v5 =	vld [tilespmem:$0x89B0]  }
0x66: {  	v6 =	vld [tilespmem:$0x89C0]  }
0x67: {  	v7 =	vld [tilespmem:$0x89D0]  }
0x68: {  	v8 =	vld [tilespmem:$0x89E0]  }
0x69: {  	s14 =	simm.s32 $0x0;
	v9 =	vld [tilespmem:$0x89F0]  }
.LBB2_6:
0x6a: {  	s15 =	sshll.u32 s14, $0xC  }
0x6b: {  	s15 =	sor.u32 s19, s15  }
0x6c: {  	s15 =	sshrl.u32 s15, $0x3  }
0x6d: {  	s16 =	sadd.s32 s7, s15  }
0x6e: {  	[tilespmem:s13], [sflag:$0x3] =	stream.linear.gather [hbm4b:s16+s13], $0x80, $0x38;
	[tilespmem:$0x1E990] =	vst v63  }
0x6f: {  	_ =	swait.ge [sflag:s28], $0x80  }
0x70: {  	[sflag:s28] =	ssyncset.done $0x0  }
0x71: {  	s21 =	sadd.s32 s8, s15;
	[sflag:s28] =	ssyncadd.s32 $0xFFFFFF80  }
0x72: {  	[tilespmem:s31], [sflag:$0x3] =	stream.linear.gather [hbm4b:s21+s13], $0x80, $0x38;
	[tilespmem:$0x1E990] =	vst v63  }
0x73: {  	_ =	swait.ge [sflag:s28], $0x80  }
0x74: {  	[sflag:s28] =	ssyncset.done $0x0  }
0x75: {  	s15 =	sadd.s32 s9, s15;
	[sflag:s28] =	ssyncadd.s32 $0xFFFFFF80  }
0x76: {  	[tilespmem:s0], [sflag:$0x3] =	stream.linear.gather [hbm4b:s15+s13], $0x80, $0x38;
	[tilespmem:$0x1E990] =	vst v63  }
0x77: {  	_ =	swait.ge [sflag:s28], $0x80  }
0x78: {  	[sflag:s28] =	ssyncset.done $0x0  }
0x79: {  	[sflag:s28] =	ssyncadd.s32 $0xFFFFFF80  }
0x7a: {  	[tilespmem:s26], [sflag:$0x1] =	stream.indirect.gather [hbm4b:s1+s31], $0x80, s13, s31, $0xb8;
	[tilespmem:$0x1E990] =	vst v63  }
0x7b: {  	_ = 	snop  }
0x7c: {  	[tilespmem:s30], [sflag:$0x2] =	stream.indirect.gather [hbm4b:s6+s31], $0x80, s31, s31, $0xb8;
	[tilespmem:$0x1E990] =	vst v63  }
0x7d: {  	_ =	swait.ge [sflag:s3], $0x4000  }
0x7e: {  	[sflag:s3] =	ssyncset.done $0x0  }
0x7f: {  	v10 =	vmov s13;
	[sflag:s3] =	ssyncadd.s32 $0xFFFFC000  }
0x80: {  	_ =	swait.ge [sflag:s10], $0x4000  }
0x81: {  	[sflag:s10] =	ssyncset.done $0x0  }
0x82: {  	s16 =	simm.s32 $0x1C0;
	[sflag:s10] =	ssyncadd.s32 $0xFFFFC000  }
0x83: {  	v11 =	vld [tilespmem:s16+$0xFFFFFFC0]  }
0x84: {  	s15 =	simm.s32 $0x41C0;
	v10 =	vld.idx.msk [tilespmem:v10+s0+$0x0], $0xffff  }
0x85: {  	v12 =	vld [tilespmem:s15+$0xFFFFFFC0];
	_ =	sdelay $0x4  }
0x86: {  	v11 =	vadd.f32 v12, v11;
	v50 =	vmul.f32 v10, v2;
	_ =	sdelay $0x1  }
0x87: {  	v11 =	vadd.f32 v11, v50;
	_ =	sdelay $0x1  }
0x88: {  	v11 =	vmax.f32 v11, $0.0e+00  }
0x89: {  	[tilespmem:s16+$0xFFFFFFC0] =	vst v11;
	v11 =	vld [tilespmem:s16+$0xFFFFFFD0]  }
0x8a: {  	v51 =	vld [tilespmem:s15+$0xFFFFFFD0];
	_ =	sdelay $0x4  }
0x8b: {  	v52 =	vmul.f32 v10, v3;
	v11 =	vadd.f32 v51, v11;
	_ =	sdelay $0x1  }
0x8c: {  	v11 =	vadd.f32 v11, v52;
	_ =	sdelay $0x1  }
0x8d: {  	v11 =	vmax.f32 v11, $0.0e+00  }
0x8e: {  	[tilespmem:s16+$0xFFFFFFD0] =	vst v11;
	v11 =	vld [tilespmem:s16+$0xFFFFFFE0]  }
0x8f: {  	v53 =	vld [tilespmem:s15+$0xFFFFFFE0];
	_ =	sdelay $0x4  }
0x90: {  	v54 =	vmul.f32 v10, v4;
	v11 =	vadd.f32 v53, v11;
	_ =	sdelay $0x1  }
0x91: {  	v11 =	vadd.f32 v11, v54;
	_ =	sdelay $0x1  }
0x92: {  	v11 =	vmax.f32 v11, $0.0e+00  }
0x93: {  	[tilespmem:s16+$0xFFFFFFE0] =	vst v11;
	v11 =	vld [tilespmem:s16+$0xFFFFFFF0]  }
0x94: {  	v55 =	vld [tilespmem:s15+$0xFFFFFFF0];
	_ =	sdelay $0x4  }
0x95: {  	v56 =	vmul.f32 v10, v5;
	v11 =	vadd.f32 v55, v11;
	_ =	sdelay $0x1  }
0x96: {  	v11 =	vadd.f32 v11, v56;
	_ =	sdelay $0x1  }
0x97: {  	v11 =	vmax.f32 v11, $0.0e+00  }
0x98: {  	[tilespmem:s16+$0xFFFFFFF0] =	vst v11;
	v11 =	vld [tilespmem:s16+$0x0]  }
0x99: {  	v57 =	vld [tilespmem:s15+$0x0];
	_ =	sdelay $0x4  }
0x9a: {  	v58 =	vmul.f32 v10, v6;
	v11 =	vadd.f32 v57, v11;
	_ =	sdelay $0x1  }
0x9b: {  	v11 =	vadd.f32 v11, v58;
	_ =	sdelay $0x1  }
0x9c: {  	v11 =	vmax.f32 v11, $0.0e+00  }
0x9d: {  	[tilespmem:s16+$0x0] =	vst v11;
	v11 =	vld [tilespmem:s16+$0x10]  }
0x9e: {  	v59 =	vld [tilespmem:s15+$0x10];
	_ =	sdelay $0x4  }
0x9f: {  	v60 =	vmul.f32 v10, v7;
	v11 =	vadd.f32 v59, v11;
	_ =	sdelay $0x1  }
0xa0: {  	v11 =	vadd.f32 v11, v60;
	_ =	sdelay $0x1  }
0xa1: {  	v11 =	vmax.f32 v11, $0.0e+00  }
0xa2: {  	[tilespmem:s16+$0x10] =	vst v11;
	v11 =	vld [tilespmem:s16+$0x20]  }
0xa3: {  	v61 =	vld [tilespmem:s15+$0x20];
	_ =	sdelay $0x4  }
0xa4: {  	v62 =	vmul.f32 v10, v8;
	v11 =	vadd.f32 v61, v11;
	_ =	sdelay $0x1  }
0xa5: {  	v11 =	vadd.f32 v11, v62;
	_ =	sdelay $0x1  }
0xa6: {  	v11 =	vmax.f32 v11, $0.0e+00  }
0xa7: {  	[tilespmem:s16+$0x20] =	vst v11;
	v11 =	vld [tilespmem:s16+$0x30]  }
0xa8: {  	v63 =	vld [tilespmem:s15+$0x30];
	_ =	sdelay $0x4  }
0xa9: {  	v10 =	vmul.f32 v10, v9;
	v11 =	vadd.f32 v63, v11  }
0xaa: {  	s17 =	simm.s32 $0x1  }
0xab: {  	v11 =	vadd.f32 v11, v10;
	v10 =	vmov s17;
	_ =	sdelay $0x1  }
0xac: {  	s18 =	simm.s32 $0x2;
	s17 =	simm.s32 $0x240;
	v11 =	vmax.f32 v11, $0.0e+00  }
.LBB2_7:
0xad: {  	p0 =	sne.s32 s18, $0x7F;
	s15 =	sadd.s32 $0x80, s15  }
0xae: {  	v12 =	vld [tilespmem:s17+$0xFFFFFFC0];
	[tilespmem:s16+$0x30] =	vst v11;
	s21 =	smov.u32 s18;
	s18 =	sadd.s32 $0x1, s18;
	s16 =	smov.u32 s17  }
0xaf: {  	v10 =	vld.idx.msk [tilespmem:v10+s0+$0x0], $0xffff  }
0xb0: {  	v11 =	vld [tilespmem:s15+$0xFFFFFFC0];
	_ =	sdelay $0x4  }
0xb1: {  	v11 =	vadd.f32 v11, v12;
	v12 =	vmul.f32 v10, v2;
	_ =	sdelay $0x1  }
0xb2: {  	v11 =	vadd.f32 v11, v12;
	_ =	sdelay $0x1  }
0xb3: {  	v11 =	vmax.f32 v11, $0.0e+00  }
0xb4: {  	[tilespmem:s17+$0xFFFFFFC0] =	vst v11;
	v11 =	vld [tilespmem:s17+$0xFFFFFFD0]  }
0xb5: {  	v12 =	vld [tilespmem:s15+$0xFFFFFFD0];
	_ =	sdelay $0x4  }
0xb6: {  	v11 =	vadd.f32 v12, v11;
	v12 =	vmul.f32 v10, v3;
	_ =	sdelay $0x1  }
0xb7: {  	v11 =	vadd.f32 v11, v12;
	_ =	sdelay $0x1  }
0xb8: {  	v11 =	vmax.f32 v11, $0.0e+00  }
0xb9: {  	[tilespmem:s17+$0xFFFFFFD0] =	vst v11;
	v11 =	vld [tilespmem:s17+$0xFFFFFFE0]  }
0xba: {  	v12 =	vld [tilespmem:s15+$0xFFFFFFE0];
	_ =	sdelay $0x4  }
0xbb: {  	v11 =	vadd.f32 v12, v11;
	v12 =	vmul.f32 v10, v4;
	_ =	sdelay $0x1  }
0xbc: {  	v11 =	vadd.f32 v11, v12;
	_ =	sdelay $0x1  }
0xbd: {  	v11 =	vmax.f32 v11, $0.0e+00  }
0xbe: {  	[tilespmem:s17+$0xFFFFFFE0] =	vst v11;
	v11 =	vld [tilespmem:s17+$0xFFFFFFF0]  }
0xbf: {  	v12 =	vld [tilespmem:s15+$0xFFFFFFF0];
	_ =	sdelay $0x4  }
0xc0: {  	v11 =	vadd.f32 v12, v11;
	v12 =	vmul.f32 v10, v5;
	_ =	sdelay $0x1  }
0xc1: {  	v11 =	vadd.f32 v11, v12;
	_ =	sdelay $0x1  }
0xc2: {  	v11 =	vmax.f32 v11, $0.0e+00  }
0xc3: {  	[tilespmem:s17+$0xFFFFFFF0] =	vst v11;
	v11 =	vld [tilespmem:s17+$0x0]  }
0xc4: {  	v12 =	vld [tilespmem:s15+$0x0];
	_ =	sdelay $0x4  }
0xc5: {  	v11 =	vadd.f32 v12, v11;
	v12 =	vmul.f32 v10, v6;
	_ =	sdelay $0x1  }
0xc6: {  	v11 =	vadd.f32 v11, v12;
	_ =	sdelay $0x1  }
0xc7: {  	v11 =	vmax.f32 v11, $0.0e+00  }
0xc8: {  	[tilespmem:s17+$0x0] =	vst v11;
	v11 =	vld [tilespmem:s17+$0x10]  }
0xc9: {  	v12 =	vld [tilespmem:s15+$0x10];
	_ =	sdelay $0x4  }
0xca: {  	v11 =	vadd.f32 v12, v11;
	v12 =	vmul.f32 v10, v7;
	_ =	sdelay $0x1  }
0xcb: {  	v11 =	vadd.f32 v11, v12;
	_ =	sdelay $0x1  }
0xcc: {  	v11 =	vmax.f32 v11, $0.0e+00  }
0xcd: {  	[tilespmem:s17+$0x10] =	vst v11;
	v11 =	vld [tilespmem:s17+$0x20]  }
0xce: {  	v12 =	vld [tilespmem:s15+$0x20];
	_ =	sdelay $0x4  }
0xcf: {  	v11 =	vadd.f32 v12, v11;
	v12 =	vmul.f32 v10, v8;
	_ =	sdelay $0x1  }
0xd0: {  	v11 =	vadd.f32 v11, v12;
	_ =	sdelay $0x1  }
0xd1: {  	v11 =	vmax.f32 v11, $0.0e+00  }
0xd2: {  	[tilespmem:s17+$0x20] =	vst v11;
	v11 =	vld [tilespmem:s17+$0x30]  }
0xd3: {  	v12 =	vld [tilespmem:s15+$0x30];
	_ =	sdelay $0x4  }
.Ltmp2:
0xd4: {  	v11 =	vadd.f32 v12, v11;
	v12 =	vmul.f32 v10, v9;
	(pc) =	sbr.rel @p0 .LBB2_7-.Ltmp2, $3  }
0xd5: {  	v10 =	vmov s21  }
0xd6: {  	v11 =	vadd.f32 v11, v12;
	_ =	sdelay $0x1  }
0xd7: {  	s17 =	sadd.s32 $0x80, s17;
	v11 =	vmax.f32 v11, $0.0e+00  }
0xd8: {  	_ =	sdelay $0x2  }
0xd9: {  	v12 =	vld [tilespmem:s17+$0xFFFFFFC0];
	[tilespmem:s16+$0x30] =	vst v11  }
0xda: {  	s15 =	sadd.s32 $0x80, s15;
	v10 =	vld.idx.msk [tilespmem:v10+s0+$0x0], $0xffff  }
0xdb: {  	v11 =	vld [tilespmem:s15+$0xFFFFFFC0];
	_ =	sdelay $0x4  }
0xdc: {  	v11 =	vadd.f32 v11, v12;
	v50 =	vmul.f32 v10, v2;
	_ =	sdelay $0x1  }
0xdd: {  	v11 =	vadd.f32 v11, v50;
	_ =	sdelay $0x1  }
0xde: {  	v11 =	vmax.f32 v11, $0.0e+00  }
0xdf: {  	[tilespmem:s17+$0xFFFFFFC0] =	vst v11;
	v11 =	vld [tilespmem:s17+$0xFFFFFFD0]  }
0xe0: {  	v51 =	vld [tilespmem:s15+$0xFFFFFFD0];
	_ =	sdelay $0x4  }
0xe1: {  	v52 =	vmul.f32 v10, v3;
	v11 =	vadd.f32 v51, v11;
	_ =	sdelay $0x1  }
0xe2: {  	v11 =	vadd.f32 v11, v52;
	_ =	sdelay $0x1  }
0xe3: {  	v11 =	vmax.f32 v11, $0.0e+00  }
0xe4: {  	[tilespmem:s17+$0xFFFFFFD0] =	vst v11;
	v11 =	vld [tilespmem:s17+$0xFFFFFFE0]  }
0xe5: {  	v53 =	vld [tilespmem:s15+$0xFFFFFFE0];
	_ =	sdelay $0x4  }
0xe6: {  	v54 =	vmul.f32 v10, v4;
	v11 =	vadd.f32 v53, v11;
	_ =	sdelay $0x1  }
0xe7: {  	v11 =	vadd.f32 v11, v54;
	_ =	sdelay $0x1  }
0xe8: {  	v11 =	vmax.f32 v11, $0.0e+00  }
0xe9: {  	[tilespmem:s17+$0xFFFFFFE0] =	vst v11;
	v11 =	vld [tilespmem:s17+$0xFFFFFFF0]  }
0xea: {  	v55 =	vld [tilespmem:s15+$0xFFFFFFF0];
	_ =	sdelay $0x4  }
0xeb: {  	v56 =	vmul.f32 v10, v5;
	v11 =	vadd.f32 v55, v11;
	_ =	sdelay $0x1  }
0xec: {  	v11 =	vadd.f32 v11, v56;
	_ =	sdelay $0x1  }
0xed: {  	v11 =	vmax.f32 v11, $0.0e+00  }
0xee: {  	[tilespmem:s17+$0xFFFFFFF0] =	vst v11;
	v11 =	vld [tilespmem:s17+$0x0]  }
0xef: {  	v57 =	vld [tilespmem:s15+$0x0];
	_ =	sdelay $0x4  }
0xf0: {  	v58 =	vmul.f32 v10, v6;
	v11 =	vadd.f32 v57, v11;
	_ =	sdelay $0x1  }
0xf1: {  	v11 =	vadd.f32 v11, v58;
	_ =	sdelay $0x1  }
0xf2: {  	v11 =	vmax.f32 v11, $0.0e+00  }
0xf3: {  	[tilespmem:s17+$0x0] =	vst v11;
	v11 =	vld [tilespmem:s17+$0x10]  }
0xf4: {  	v59 =	vld [tilespmem:s15+$0x10];
	_ =	sdelay $0x4  }
0xf5: {  	v60 =	vmul.f32 v10, v7;
	v11 =	vadd.f32 v59, v11;
	_ =	sdelay $0x1  }
0xf6: {  	v11 =	vadd.f32 v11, v60;
	_ =	sdelay $0x1  }
0xf7: {  	v11 =	vmax.f32 v11, $0.0e+00  }
0xf8: {  	[tilespmem:s17+$0x10] =	vst v11;
	v11 =	vld [tilespmem:s17+$0x20]  }
0xf9: {  	v61 =	vld [tilespmem:s15+$0x20];
	_ =	sdelay $0x4  }
0xfa: {  	v62 =	vmul.f32 v10, v8;
	v11 =	vadd.f32 v61, v11;
	_ =	sdelay $0x1  }
0xfb: {  	v11 =	vadd.f32 v11, v62;
	_ =	sdelay $0x1  }
0xfc: {  	v11 =	vmax.f32 v11, $0.0e+00  }
0xfd: {  	[tilespmem:s17+$0x20] =	vst v11;
	v11 =	vld [tilespmem:s17+$0x30]  }
0xfe: {  	v63 =	vld [tilespmem:s15+$0x30];
	_ =	sdelay $0x4  }
0xff: {  	v10 =	vmul.f32 v10, v9;
	v11 =	vadd.f32 v63, v11;
	_ =	sdelay $0x1  }
0x100: {  	v10 =	vadd.f32 v11, v10;
	_ =	sdelay $0x1  }
0x101: {  	v10 =	vmax.f32 v10, $0.0e+00  }
0x102: {  	[tilespmem:s17+$0x30] =	vst v10  }
0x103: {  	[spmem:s2] =	stream.indirect.scatter.add.f32 [tilespmem:s26], [sflag:$0x3], $0x80, s31, s31, $0xb8;
	[tilespmem:$0x1E990] =	vst v63  }
0x104: {  	s14 =	sadd.s32 $0x1, s14;
	_ =	swait.ge [sflag:s28], $0x4000  }
0x105: {  	p0 =	sne.s32 s14, s20;
	[sflag:s28] =	ssyncset.done $0x0  }
.Ltmp3:
0x106: {  	[sflag:s28] =	ssyncadd.s32 $0xFFFFC000;
	(pc) =	sbr.rel @p0 .LBB2_6-.Ltmp3, $4  }
0x107: {  	[spmem:s4] =	stream.indirect.scatter.add.f32 [tilespmem:s29], [sflag:$0x3], $0x10, s31, s31, $0xb8;
	[tilespmem:$0x1E990] =	vst v63  }
0x108: {  	_ =	swait.ge [sflag:s28], $0x800  }
0x109: {  	[sflag:s28] =	ssyncset.done $0x0  }
0x10a: {  	[sflag:s28] =	ssyncadd.s32 $0xFFFFF800  }
0x10b: {  	s13 =	stileid.u32  }
0x10c: {  	s13 =	sshll.u32 s13, $0x6  }
0x10d: {  	[bflag:$0x0] =	sbarrier.arrive $0xFFFF;
	s14 =	sshrl.u32 s11, $0x3;
	s13 =	sor.u32 $0x1C03, s13  }
0x10e: {  	[hbm:s23], [sflag:s13] =	dma.local [spmem:s14], $0x2710  }
0x10f: {  	s5 =	sadd.s32 $0x1, s5;
	_ =	swait.ge [sflag:s28], $0x2710  }
0x110: {  	p0 =	sne.s32 s5, s25;
	[sflag:s28] =	ssyncset.done $0x0  }
.Ltmp4:
0x111: {  	s21 =	sshrl.u32 s12, $0x3;
	[sflag:s28] =	ssyncadd.s32 $0xFFFFD8F0;
	(pc) =	sbr.rel @p0 .LBB2_1-.Ltmp4, $4  }
0x112: {  	[hbm:s24], [sflag:s13] =	dma.local [spmem:s21], $0x4E2  }
0x113: {  	_ =	swait.ge [sflag:s28], $0x4E2  }
0x114: {  	[sflag:s28] =	ssyncset.done $0x0  }
0x115: {  	[sflag:s28] =	ssyncadd.s32 $0xFFFFFB1E  }
0x116: {  	_ =	sfence.sel $0x180000  }
0x117: {  	[bflag:$0x0] =	sbarrier.arrive $0xFFFF  }
0x118: {  	_ =	strace $0x90000047  }
0x119: {  	s0 =	stileid.u32;
	[bflag:$0x2] =	sbarrier.arrive $0xFFFF  }
0x11a: {  	p0 =	sne.s32 s0, $0x0;
	s0 =	rddreg [dreg:$0x4]  }
0x11b: {  	s0 =	sadd.s32 @!p0 $0x100000, s0  }
0x11c: {  	[sflag:s0] =	ssyncadd.tile.s32 @!p0 $0x1;
	_ =	shalt  }
.Lfunc_end2:
_tile_overlayer_lowered:
.L_overlay_start_2:
0x11d: {  	(tag) =	ssettag $0x2  }
0x11e: {  	s0 =	rddreg [dreg:$0x0];
	s2 =	stileid.u32  }
0x11f: {  	s1 =	rddreg [dreg:$0x1];
	p0 =	sne.s32 s2, $0x0  }
0x120: {  	s3 =	rddreg [dreg:$0x2];
	[bflag:$0x3] =	sbarrier.arrive $0xFFFF;
	s2 =	simm.s32 @!p0 $0x1C03  }
0x121: {  	[timem:s3], [sflag:s2] =	dma.local @!p0 [hbm:s0], s1  }
0x122: {  	s0 =	simm.s32 @!p0 $0x3  }
0x123: {  	_ =	swait.ge @!p0 [sflag:s0], s1  }
0x124: {  	s1 =	ssub.s32 @!p0 $0x0, s1;
	[sflag:s0] =	ssyncset.done @!p0 $0x0  }
0x125: {  	[sflag:s0] =	ssyncadd.s32 @!p0 s1  }
0x126: {  	[bflag:$0x3] =	sbarrier.arrive $0xFFFF  }
0x127: {  	_ =	shalt  }

</sc_bundles>
